<compile_context>
chip_gen: v7x
topology: tpu7x:2x2x1
jax: 0.10.2.dev20260603
libtpu: 0.0.44.dev20260713+nightly
codegen_flags: <defaults>
</compile_context>

<pallas_src>
import functools

import numpy as np
import jax
import jax.numpy as jnp
from jax import lax
from jax.experimental import pallas as pl
from jax.experimental.pallas import tpu as pltpu
from jax.experimental.pallas import tpu_sc as plsc

_B = 16384
_R = 32
_L = 16

_NC = 2
_NS = 16
_NW = _NC * _NS
_BPW = _B // _NW
_GCHUNK = 128
_NCHUNK = _BPW // _GCHUNK



def _rotl32(x, d):
    return ((x << np.uint32(d)) | (x >> np.uint32(32 - d))).astype(np.uint32)


def _threefry2x32(k0, k1, x0, x1):
    x0 = x0.astype(np.uint32).copy()
    x1 = x1.astype(np.uint32).copy()
    ks = [np.uint32(k0), np.uint32(k1),
          np.uint32(np.uint32(k0) ^ np.uint32(k1) ^ np.uint32(0x1BD11BDA))]
    rot = [(13, 15, 26, 6), (17, 29, 16, 24)]
    x0 += ks[0]
    x1 += ks[1]
    for i in range(5):
        for r in rot[i % 2]:
            x0 += x1
            x1 = _rotl32(x1, r)
            x1 ^= x0
        x0 += ks[(i + 1) % 3]
        x1 += ks[(i + 2) % 3] + np.uint32(i + 1)
    return x0, x1


def _erfinv_f32(x):
    x = x.astype(np.float32)
    w = (-np.log(((1.0 - x) * (1.0 + x)).astype(np.float32))).astype(np.float32)
    lt = w < 5.0
    wa = np.where(lt, w - 2.5, np.sqrt(np.maximum(w, 5.0)) - 3.0).astype(np.float32)
    ca = [2.81022636e-08, 3.43273939e-07, -3.5233877e-06, -4.39150654e-06,
          0.00021858087, -0.00125372503, -0.00417768164, 0.246640727, 1.50140941]
    cb = [-0.000200214257, 0.000100950558, 0.00134934322, -0.00367342844,
          0.00573950773, -0.0076224613, 0.00943887047, 1.00167406, 2.83297682]
    pa = np.float32(ca[0]) * np.ones_like(wa)
    for c in ca[1:]:
        pa = (pa * wa + np.float32(c)).astype(np.float32)
    pb = np.float32(cb[0]) * np.ones_like(wa)
    for c in cb[1:]:
        pb = (pb * wa + np.float32(c)).astype(np.float32)
    return (np.where(lt, pa, pb) * x).astype(np.float32)


def _fixed_key_normal(k0, k1, shape):
    n = int(np.prod(shape))
    counts = np.arange(n, dtype=np.uint64)
    o0, o1 = _threefry2x32(k0, k1, (counts >> np.uint64(32)).astype(np.uint32),
                           counts.astype(np.uint32))
    bits = o0 ^ o1
    f = ((bits >> np.uint32(9)) | np.uint32(0x3F800000)).view(np.float32) - np.float32(1.0)
    lo = np.float32(np.nextafter(np.float32(-1.0), np.float32(0.0)))
    u = np.maximum(lo, (f * (np.float32(1.0) - lo) + lo).astype(np.float32))
    return (np.float32(np.sqrt(2.0)) * _erfinv_f32(u)).reshape(shape)


_sp0, _sp1 = _threefry2x32(0, 1, np.zeros(2, np.uint32), np.arange(2, dtype=np.uint32))
_EPS1 = _fixed_key_normal(_sp0[0], _sp1[0], (_B, _R)).reshape(-1)
_EPS2 = _fixed_key_normal(_sp0[1], _sp1[1], (_B, _R)).reshape(-1)

_mesh = plsc.VectorSubcoreMesh(core_axis_name="c", subcore_axis_name="s")


@functools.partial(
    pl.kernel,
    mesh=_mesh,
    compiler_params=pltpu.CompilerParams(needs_layout_passes=False,
                                         use_tc_tiling_on_sc=False),
    out_type=jax.ShapeDtypeStruct((_B,), jnp.float32),
    scratch_types=[
        pltpu.VMEM((_NCHUNK, _GCHUNK), jnp.int32),
        pltpu.VMEM((_BPW, _R), jnp.float32),
        pltpu.VMEM((_BPW, _R), jnp.float32),
        pltpu.VMEM((_BPW * _R,), jnp.float32),
        pltpu.VMEM((_BPW * _R,), jnp.float32),
        pltpu.VMEM((_BPW * _R,), jnp.float32),
        pltpu.VMEM((_BPW * _R,), jnp.float32),
        pltpu.VMEM((_L,), jnp.float32),
        pltpu.VMEM((_L,), jnp.float32),
        pltpu.VMEM((_L * _BPW,), jnp.float32),
        pltpu.VMEM((_BPW,), jnp.float32),
        pltpu.SemaphoreType.DMA,
    ],
)
def _vader_sc(idx_hbm, eps1_hbm, eps2_hbm, dmean_hbm, dvar_hbm, a_hbm, b_hbm,
              mean_tab, var_tab, out_hbm,
              idx_v, mean_v, lv_v, e1_v, e2_v, dm_v, dv_v, a_v, b_v, sqT_v,
              out_v, sem):
    wid = lax.axis_index("s") * _NC + lax.axis_index("c")
    base = wid * _BPW

    pltpu.sync_copy(idx_hbm.at[pl.ds(wid * _NCHUNK, _NCHUNK)], idx_v)
    copies = []
    for c in range(_NCHUNK):
        sl = pl.ds(c * _GCHUNK, _GCHUNK)
        copies.append(pltpu.async_copy(mean_tab.at[idx_v.at[c]], mean_v.at[sl], sem))
        copies.append(pltpu.async_copy(var_tab.at[idx_v.at[c]], lv_v.at[sl], sem))

    fbase = base * _R
    pltpu.sync_copy(eps1_hbm.at[pl.ds(fbase, _BPW * _R)], e1_v)
    pltpu.sync_copy(eps2_hbm.at[pl.ds(fbase, _BPW * _R)], e2_v)
    pltpu.sync_copy(dmean_hbm.at[pl.ds(fbase, _BPW * _R)], dm_v)
    pltpu.sync_copy(dvar_hbm.at[pl.ds(fbase, _BPW * _R)], dv_v)
    pltpu.sync_copy(a_hbm, a_v)
    pltpu.sync_copy(b_hbm, b_v)
    for cp in copies:
        cp.wait()

    scale = jnp.exp(a_v[...])
    bias = b_v[...]
    half = jnp.float32(0.5)
    one = jnp.float32(1.0)
    lane = lax.iota(jnp.int32, _L)
    tcol = lane * _BPW

    def row_body(r, carry):
        off = r * _R
        m_lo = mean_v[r, pl.ds(0, _L)]
        m_hi = mean_v[r, pl.ds(_L, _L)]
        lv_lo = lv_v[r, pl.ds(0, _L)]
        lv_hi = lv_v[r, pl.ds(_L, _L)]
        d_lo = ((m_lo - dm_v[pl.ds(off, _L)])
                + e1_v[pl.ds(off, _L)] * jnp.exp(half * lv_lo)
                - e2_v[pl.ds(off, _L)] * jnp.exp(half * dv_v[pl.ds(off, _L)]))
        d_hi = ((m_hi - dm_v[pl.ds(off + _L, _L)])
                + e1_v[pl.ds(off + _L, _L)] * jnp.exp(half * lv_hi)
                - e2_v[pl.ds(off + _L, _L)] * jnp.exp(half * dv_v[pl.ds(off + _L, _L)]))
        sq = d_lo * d_lo + d_hi * d_hi
        plsc.store_scatter(sqT_v, [tcol + r], sq)
        return carry

    lax.fori_loop(0, _BPW, row_body, 0)

    def group_body(g, carry):
        rbase = g * _L
        acc = sqT_v[pl.ds(rbase, _L)]
        for c in range(1, _L):
            acc = acc + sqT_v[pl.ds(c * _BPW + rbase, _L)]
        bits = lax.bitcast_convert_type(acc, jnp.int32)
        bits = jnp.int32(0x5F3759DF) - lax.shift_right_arithmetic(bits, 1)
        g0 = lax.bitcast_convert_type(bits, jnp.float32)
        for _ in range(3):
            g0 = g0 * (jnp.float32(1.5) - half * acc * g0 * g0)
        dist = acc * g0
        t = bias - scale * dist
        out_v[pl.ds(rbase, _L)] = one / (one + jnp.exp(-t))
        return carry

    lax.fori_loop(0, _BPW // _L, group_body, 0)
    pltpu.sync_copy(out_v, out_hbm.at[pl.ds(base, _BPW)])


def kernel(author_idx, doc_mean, doc_var, aut_mean_table, aut_var_table,
           a_authors, b_authors):
    idx2 = author_idx.astype(jnp.int32).reshape(_NW * _NCHUNK, _GCHUNK)
    a16 = jnp.broadcast_to(a_authors.astype(jnp.float32), (_L,))
    b16 = jnp.broadcast_to(b_authors.astype(jnp.float32), (_L,))
    return _vader_sc(idx2, jnp.asarray(_EPS1), jnp.asarray(_EPS2),
                     doc_mean.reshape(-1), doc_var.reshape(-1), a16, b16,
                     aut_mean_table, aut_var_table)

# --- scband reference (transcript-rebuilt; emitter-appended) ---
"""Pipeline reference for scband-vader-87101936763453 (READ-ONLY COPY).

The authoritative reference and input builder live on the scoring server;
editing this copy changes nothing except your own understanding.
"""

import jax, jax.numpy as jnp
import numpy as np

NBA = 1000000
R = 32
B = 16384


def setup_inputs(seed: int = 0) -> dict:
    key = jax.random.key(seed)
    k1, k2, k3, k4, k5 = jax.random.split(key, 5)
    return {
        "author_idx": jax.random.randint(k1, (B,), 0, NBA),
        "doc_mean": jax.random.normal(k2, (B, R), dtype=jnp.float32),
        "doc_var": jax.random.normal(k3, (B, R), dtype=jnp.float32),
        "aut_mean_table": jax.random.normal(k4, (NBA, R), dtype=jnp.float32),
        "aut_var_table": jax.random.uniform(k5, (NBA, R), minval=-0.5, maxval=0.5, dtype=jnp.float32),
        "a_authors": jnp.ones((1,), dtype=jnp.float32),
        "b_authors": jnp.ones((1,), dtype=jnp.float32),
    }


def _reparameterize(eps_key, mean, logvar):
    eps = jax.random.normal(eps_key, mean.shape, dtype=mean.dtype)
    return eps * jnp.sqrt(jnp.exp(logvar)) + mean


def reference(author_idx, doc_mean, doc_var, aut_mean_table, aut_var_table, a_authors, b_authors):
    # embedding lookups (author mean / logvar)
    mean = jnp.take(aut_mean_table, author_idx, axis=0)
    logvar = jnp.take(aut_var_table, author_idx, axis=0)
    # reparameterize with fixed eps keys (deterministic stand-in for tf.random.normal)
    ek = jax.random.key(1)
    e1, e2 = jax.random.split(ek)
    aut_emb = _reparameterize(e1, mean, logvar)
    doc_emb = _reparameterize(e2, doc_mean, doc_var)
    # compute_distance
    distance = jnp.sqrt(jnp.sum(jnp.power(aut_emb - doc_emb, 2), axis=1))
    # logistic_classifier with apply_sigmoid=True
    logits = jnp.add(jnp.multiply(-jnp.exp(a_authors), distance), b_authors)
    return jax.nn.sigmoid(logits)

if __name__ == "__main__":
    import jax
    _d = setup_inputs()
    print(jax.jit(kernel)(*tuple(_d.values())))

</pallas_src>

<mosaic_0001>
#map = affine_map<(d0, d1) -> (0, 0)>
#map1 = affine_map<(d0, d1) -> (0)>
module attributes {stable_mosaic.version = 14 : i64} {
  func.func @_vader_sc(%arg0: i32, %arg1: i32, %arg2: memref<128x128xi32, #tpu.memory_space<hbm>>, %arg3: memref<524288xf32, #tpu.memory_space<hbm>>, %arg4: memref<524288xf32, #tpu.memory_space<hbm>>, %arg5: memref<524288xf32, #tpu.memory_space<hbm>>, %arg6: memref<524288xf32, #tpu.memory_space<hbm>>, %arg7: memref<16xf32, #tpu.memory_space<hbm>>, %arg8: memref<16xf32, #tpu.memory_space<hbm>>, %arg9: memref<1000000x32xf32, #tpu.memory_space<hbm>>, %arg10: memref<1000000x32xf32, #tpu.memory_space<hbm>>, %arg11: memref<16384xf32, #tpu.memory_space<hbm>>, %arg12: memref<4x128xi32, #tpu.memory_space<vmem>>, %arg13: memref<512x32xf32, #tpu.memory_space<vmem>>, %arg14: memref<512x32xf32, #tpu.memory_space<vmem>>, %arg15: memref<16384xf32, #tpu.memory_space<vmem>>, %arg16: memref<16384xf32, #tpu.memory_space<vmem>>, %arg17: memref<16384xf32, #tpu.memory_space<vmem>>, %arg18: memref<16384xf32, #tpu.memory_space<vmem>>, %arg19: memref<16xf32, #tpu.memory_space<vmem>>, %arg20: memref<16xf32, #tpu.memory_space<vmem>>, %arg21: memref<8192xf32, #tpu.memory_space<vmem>>, %arg22: memref<512xf32, #tpu.memory_space<vmem>>, %arg23: memref<!tpu.dma_semaphore, #tpu.memory_space<semaphore_mem>>) attributes {dimension_semantics = [#tpu.dimension_semantics<core_parallel>, #tpu.dimension_semantics<subcore_parallel>], iteration_bounds = array<i64: 2, 16>, scalar_prefetch = 0 : i64, scratch_operands = 12 : i64, tpu.core_type = #tpu.core_type<sc_vector_subcore>, window_params = [{transform_indices = #map}, {transform_indices = #map1}, {transform_indices = #map1}, {transform_indices = #map1}, {transform_indices = #map1}, {transform_indices = #map1}, {transform_indices = #map1}, {transform_indices = #map}, {transform_indices = #map}, {transform_indices = #map1}]} {
    %mul3A = arith.constant 2 : i32
    %mul3A_0 = arith.muli %arg1, %mul3A : i32
    %add3A = arith.addi %mul3A_0, %arg0 : i32
    %mul3A_1 = arith.constant 512 : i32
    %mul3A_2 = arith.muli %add3A, %mul3A_1 : i32
    %mul3A_3 = arith.constant 4 : i32
    %mul3A_4 = arith.muli %add3A, %mul3A_3 : i32
    "tpu.region"() ({
      %run_scoped3A = tpu.sem_alloc : memref<!tpu.dma_semaphore, #tpu.memory_space<semaphore_mem>>
      %dma_start3A_185 = arith.constant 0 : i32
      %dma_start3A_186 = tpu.memref_slice %arg2[%mul3A_4, %dma_start3A_185] : memref<128x128xi32, #tpu.memory_space<hbm>> -> memref<4x128xi32, #tpu.memory_space<hbm>>
      %dma_start3A_187 = arith.constant 0 : i32
      %dma_start3A_188 = tpu.memref_slice %arg2[%mul3A_4, %dma_start3A_187] : memref<128x128xi32, #tpu.memory_space<hbm>> -> memref<4x128xi32, #tpu.memory_space<hbm>>
      tpu.enqueue_dma source(%dma_start3A_188 : memref<4x128xi32, #tpu.memory_space<hbm>>) target(%arg12 : memref<4x128xi32, #tpu.memory_space<vmem>>) target_semaphore(%run_scoped3A : memref<!tpu.dma_semaphore, #tpu.memory_space<semaphore_mem>>)
      %dma_wait3A_189 = arith.constant 0 : i32
      %dma_wait3A_190 = tpu.memref_slice %arg2[%mul3A_4, %dma_wait3A_189] : memref<128x128xi32, #tpu.memory_space<hbm>> -> memref<4x128xi32, #tpu.memory_space<hbm>>
      %dma_wait3A_191 = arith.constant 0 : i32
      %dma_wait3A_192 = tpu.memref_slice %arg2[%mul3A_4, %dma_wait3A_191] : memref<128x128xi32, #tpu.memory_space<hbm>> -> memref<4x128xi32, #tpu.memory_space<hbm>>
      tpu.wait_dma2 semaphore(%run_scoped3A : memref<!tpu.dma_semaphore, #tpu.memory_space<semaphore_mem>>) src(%dma_wait3A_192 : memref<4x128xi32, #tpu.memory_space<hbm>>) dst(%arg12 : memref<4x128xi32, #tpu.memory_space<vmem>>)
      tpu.yield
    }) : () -> ()
    %dma_start3A = arith.constant 0 : i32
    %dma_start3A_5 = arith.constant 0 : i32
    %dma_start3A_6 = arith.constant 0 : i32
    %dma_start3A_7 = tpu.memref_slice %arg13[%dma_start3A_5, %dma_start3A_6] : memref<512x32xf32, #tpu.memory_space<vmem>> -> memref<128x32xf32, #tpu.memory_space<vmem>>
    %dma_start3A_8 = arith.constant 0 : i32
    %dma_start3A_9 = tpu.memref_slice %arg12[%dma_start3A, %dma_start3A_8] : memref<4x128xi32, #tpu.memory_space<vmem>> -> memref<1x128xi32, #tpu.memory_space<vmem>>
    %dma_start3A_10 = tpu.memref_squeeze %dma_start3A_9 : memref<1x128xi32, #tpu.memory_space<vmem>> -> memref<128xi32, #tpu.memory_space<vmem>>
    %dma_start3A_11 = arith.constant 0 : i32
    %dma_start3A_12 = arith.constant 0 : i32
    %dma_start3A_13 = tpu.memref_slice %arg9[%dma_start3A_11, %dma_start3A_12] : memref<1000000x32xf32, #tpu.memory_space<hbm>> -> memref<1000000x32xf32, #tpu.memory_space<hbm>>
    tpu.enqueue_indirect_dma source(%dma_start3A_13 : memref<1000000x32xf32, #tpu.memory_space<hbm>>) target(%dma_start3A_7 : memref<128x32xf32, #tpu.memory_space<vmem>>) offsets(%dma_start3A_10 : memref<128xi32, #tpu.memory_space<vmem>>) semaphore(%arg23 : memref<!tpu.dma_semaphore, #tpu.memory_space<semaphore_mem>>)
    %dma_start3A_14 = arith.constant 0 : i32
    %dma_start3A_15 = arith.constant 0 : i32
    %dma_start3A_16 = arith.constant 0 : i32
    %dma_start3A_17 = tpu.memref_slice %arg14[%dma_start3A_15, %dma_start3A_16] : memref<512x32xf32, #tpu.memory_space<vmem>> -> memref<128x32xf32, #tpu.memory_space<vmem>>
    %dma_start3A_18 = arith.constant 0 : i32
    %dma_start3A_19 = tpu.memref_slice %arg12[%dma_start3A_14, %dma_start3A_18] : memref<4x128xi32, #tpu.memory_space<vmem>> -> memref<1x128xi32, #tpu.memory_space<vmem>>
    %dma_start3A_20 = tpu.memref_squeeze %dma_start3A_19 : memref<1x128xi32, #tpu.memory_space<vmem>> -> memref<128xi32, #tpu.memory_space<vmem>>
    %dma_start3A_21 = arith.constant 0 : i32
    %dma_start3A_22 = arith.constant 0 : i32
    %dma_start3A_23 = tpu.memref_slice %arg10[%dma_start3A_21, %dma_start3A_22] : memref<1000000x32xf32, #tpu.memory_space<hbm>> -> memref<1000000x32xf32, #tpu.memory_space<hbm>>
    tpu.enqueue_indirect_dma source(%dma_start3A_23 : memref<1000000x32xf32, #tpu.memory_space<hbm>>) target(%dma_start3A_17 : memref<128x32xf32, #tpu.memory_space<vmem>>) offsets(%dma_start3A_20 : memref<128xi32, #tpu.memory_space<vmem>>) semaphore(%arg23 : memref<!tpu.dma_semaphore, #tpu.memory_space<semaphore_mem>>)
    %dma_start3A_24 = arith.constant 1 : i32
    %dma_start3A_25 = arith.constant 128 : i32
    %dma_start3A_26 = arith.constant 0 : i32
    %dma_start3A_27 = tpu.memref_slice %arg13[%dma_start3A_25, %dma_start3A_26] : memref<512x32xf32, #tpu.memory_space<vmem>> -> memref<128x32xf32, #tpu.memory_space<vmem>>
    %dma_start3A_28 = arith.constant 0 : i32
    %dma_start3A_29 = tpu.memref_slice %arg12[%dma_start3A_24, %dma_start3A_28] : memref<4x128xi32, #tpu.memory_space<vmem>> -> memref<1x128xi32, #tpu.memory_space<vmem>>
    %dma_start3A_30 = tpu.memref_squeeze %dma_start3A_29 : memref<1x128xi32, #tpu.memory_space<vmem>> -> memref<128xi32, #tpu.memory_space<vmem>>
    %dma_start3A_31 = arith.constant 0 : i32
    %dma_start3A_32 = arith.constant 0 : i32
    %dma_start3A_33 = tpu.memref_slice %arg9[%dma_start3A_31, %dma_start3A_32] : memref<1000000x32xf32, #tpu.memory_space<hbm>> -> memref<1000000x32xf32, #tpu.memory_space<hbm>>
    tpu.enqueue_indirect_dma source(%dma_start3A_33 : memref<1000000x32xf32, #tpu.memory_space<hbm>>) target(%dma_start3A_27 : memref<128x32xf32, #tpu.memory_space<vmem>>) offsets(%dma_start3A_30 : memref<128xi32, #tpu.memory_space<vmem>>) semaphore(%arg23 : memref<!tpu.dma_semaphore, #tpu.memory_space<semaphore_mem>>)
    %dma_start3A_34 = arith.constant 1 : i32
    %dma_start3A_35 = arith.constant 128 : i32
    %dma_start3A_36 = arith.constant 0 : i32
    %dma_start3A_37 = tpu.memref_slice %arg14[%dma_start3A_35, %dma_start3A_36] : memref<512x32xf32, #tpu.memory_space<vmem>> -> memref<128x32xf32, #tpu.memory_space<vmem>>
    %dma_start3A_38 = arith.constant 0 : i32
    %dma_start3A_39 = tpu.memref_slice %arg12[%dma_start3A_34, %dma_start3A_38] : memref<4x128xi32, #tpu.memory_space<vmem>> -> memref<1x128xi32, #tpu.memory_space<vmem>>
    %dma_start3A_40 = tpu.memref_squeeze %dma_start3A_39 : memref<1x128xi32, #tpu.memory_space<vmem>> -> memref<128xi32, #tpu.memory_space<vmem>>
    %dma_start3A_41 = arith.constant 0 : i32
    %dma_start3A_42 = arith.constant 0 : i32
    %dma_start3A_43 = tpu.memref_slice %arg10[%dma_start3A_41, %dma_start3A_42] : memref<1000000x32xf32, #tpu.memory_space<hbm>> -> memref<1000000x32xf32, #tpu.memory_space<hbm>>
    tpu.enqueue_indirect_dma source(%dma_start3A_43 : memref<1000000x32xf32, #tpu.memory_space<hbm>>) target(%dma_start3A_37 : memref<128x32xf32, #tpu.memory_space<vmem>>) offsets(%dma_start3A_40 : memref<128xi32, #tpu.memory_space<vmem>>) semaphore(%arg23 : memref<!tpu.dma_semaphore, #tpu.memory_space<semaphore_mem>>)
    %dma_start3A_44 = arith.constant 2 : i32
    %dma_start3A_45 = arith.constant 256 : i32
    %dma_start3A_46 = arith.constant 0 : i32
    %dma_start3A_47 = tpu.memref_slice %arg13[%dma_start3A_45, %dma_start3A_46] : memref<512x32xf32, #tpu.memory_space<vmem>> -> memref<128x32xf32, #tpu.memory_space<vmem>>
    %dma_start3A_48 = arith.constant 0 : i32
    %dma_start3A_49 = tpu.memref_slice %arg12[%dma_start3A_44, %dma_start3A_48] : memref<4x128xi32, #tpu.memory_space<vmem>> -> memref<1x128xi32, #tpu.memory_space<vmem>>
    %dma_start3A_50 = tpu.memref_squeeze %dma_start3A_49 : memref<1x128xi32, #tpu.memory_space<vmem>> -> memref<128xi32, #tpu.memory_space<vmem>>
    %dma_start3A_51 = arith.constant 0 : i32
    %dma_start3A_52 = arith.constant 0 : i32
    %dma_start3A_53 = tpu.memref_slice %arg9[%dma_start3A_51, %dma_start3A_52] : memref<1000000x32xf32, #tpu.memory_space<hbm>> -> memref<1000000x32xf32, #tpu.memory_space<hbm>>
    tpu.enqueue_indirect_dma source(%dma_start3A_53 : memref<1000000x32xf32, #tpu.memory_space<hbm>>) target(%dma_start3A_47 : memref<128x32xf32, #tpu.memory_space<vmem>>) offsets(%dma_start3A_50 : memref<128xi32, #tpu.memory_space<vmem>>) semaphore(%arg23 : memref<!tpu.dma_semaphore, #tpu.memory_space<semaphore_mem>>)
    %dma_start3A_54 = arith.constant 2 : i32
    %dma_start3A_55 = arith.constant 256 : i32
    %dma_start3A_56 = arith.constant 0 : i32
    %dma_start3A_57 = tpu.memref_slice %arg14[%dma_start3A_55, %dma_start3A_56] : memref<512x32xf32, #tpu.memory_space<vmem>> -> memref<128x32xf32, #tpu.memory_space<vmem>>
    %dma_start3A_58 = arith.constant 0 : i32
    %dma_start3A_59 = tpu.memref_slice %arg12[%dma_start3A_54, %dma_start3A_58] : memref<4x128xi32, #tpu.memory_space<vmem>> -> memref<1x128xi32, #tpu.memory_space<vmem>>
    %dma_start3A_60 = tpu.memref_squeeze %dma_start3A_59 : memref<1x128xi32, #tpu.memory_space<vmem>> -> memref<128xi32, #tpu.memory_space<vmem>>
    %dma_start3A_61 = arith.constant 0 : i32
    %dma_start3A_62 = arith.constant 0 : i32
    %dma_start3A_63 = tpu.memref_slice %arg10[%dma_start3A_61, %dma_start3A_62] : memref<1000000x32xf32, #tpu.memory_space<hbm>> -> memref<1000000x32xf32, #tpu.memory_space<hbm>>
    tpu.enqueue_indirect_dma source(%dma_start3A_63 : memref<1000000x32xf32, #tpu.memory_space<hbm>>) target(%dma_start3A_57 : memref<128x32xf32, #tpu.memory_space<vmem>>) offsets(%dma_start3A_60 : memref<128xi32, #tpu.memory_space<vmem>>) semaphore(%arg23 : memref<!tpu.dma_semaphore, #tpu.memory_space<semaphore_mem>>)
    %dma_start3A_64 = arith.constant 3 : i32
    %dma_start3A_65 = arith.constant 384 : i32
    %dma_start3A_66 = arith.constant 0 : i32
    %dma_start3A_67 = tpu.memref_slice %arg13[%dma_start3A_65, %dma_start3A_66] : memref<512x32xf32, #tpu.memory_space<vmem>> -> memref<128x32xf32, #tpu.memory_space<vmem>>
    %dma_start3A_68 = arith.constant 0 : i32
    %dma_start3A_69 = tpu.memref_slice %arg12[%dma_start3A_64, %dma_start3A_68] : memref<4x128xi32, #tpu.memory_space<vmem>> -> memref<1x128xi32, #tpu.memory_space<vmem>>
    %dma_start3A_70 = tpu.memref_squeeze %dma_start3A_69 : memref<1x128xi32, #tpu.memory_space<vmem>> -> memref<128xi32, #tpu.memory_space<vmem>>
    %dma_start3A_71 = arith.constant 0 : i32
    %dma_start3A_72 = arith.constant 0 : i32
    %dma_start3A_73 = tpu.memref_slice %arg9[%dma_start3A_71, %dma_start3A_72] : memref<1000000x32xf32, #tpu.memory_space<hbm>> -> memref<1000000x32xf32, #tpu.memory_space<hbm>>
    tpu.enqueue_indirect_dma source(%dma_start3A_73 : memref<1000000x32xf32, #tpu.memory_space<hbm>>) target(%dma_start3A_67 : memref<128x32xf32, #tpu.memory_space<vmem>>) offsets(%dma_start3A_70 : memref<128xi32, #tpu.memory_space<vmem>>) semaphore(%arg23 : memref<!tpu.dma_semaphore, #tpu.memory_space<semaphore_mem>>)
    %dma_start3A_74 = arith.constant 3 : i32
    %dma_start3A_75 = arith.constant 384 : i32
    %dma_start3A_76 = arith.constant 0 : i32
    %dma_start3A_77 = tpu.memref_slice %arg14[%dma_start3A_75, %dma_start3A_76] : memref<512x32xf32, #tpu.memory_space<vmem>> -> memref<128x32xf32, #tpu.memory_space<vmem>>
    %dma_start3A_78 = arith.constant 0 : i32
    %dma_start3A_79 = tpu.memref_slice %arg12[%dma_start3A_74, %dma_start3A_78] : memref<4x128xi32, #tpu.memory_space<vmem>> -> memref<1x128xi32, #tpu.memory_space<vmem>>
    %dma_start3A_80 = tpu.memref_squeeze %dma_start3A_79 : memref<1x128xi32, #tpu.memory_space<vmem>> -> memref<128xi32, #tpu.memory_space<vmem>>
    %dma_start3A_81 = arith.constant 0 : i32
    %dma_start3A_82 = arith.constant 0 : i32
    %dma_start3A_83 = tpu.memref_slice %arg10[%dma_start3A_81, %dma_start3A_82] : memref<1000000x32xf32, #tpu.memory_space<hbm>> -> memref<1000000x32xf32, #tpu.memory_space<hbm>>
    tpu.enqueue_indirect_dma source(%dma_start3A_83 : memref<1000000x32xf32, #tpu.memory_space<hbm>>) target(%dma_start3A_77 : memref<128x32xf32, #tpu.memory_space<vmem>>) offsets(%dma_start3A_80 : memref<128xi32, #tpu.memory_space<vmem>>) semaphore(%arg23 : memref<!tpu.dma_semaphore, #tpu.memory_space<semaphore_mem>>)
    %mul3A_84 = arith.constant 32 : i32
    %mul3A_85 = arith.muli %mul3A_2, %mul3A_84 : i32
    "tpu.region"() ({
      %run_scoped3A = tpu.sem_alloc : memref<!tpu.dma_semaphore, #tpu.memory_space<semaphore_mem>>
      %dma_start3A_185 = tpu.memref_slice %arg3[%mul3A_85] : memref<524288xf32, #tpu.memory_space<hbm>> -> memref<16384xf32, #tpu.memory_space<hbm>>
      %dma_start3A_186 = tpu.memref_slice %arg3[%mul3A_85] : memref<524288xf32, #tpu.memory_space<hbm>> -> memref<16384xf32, #tpu.memory_space<hbm>>
      tpu.enqueue_dma source(%dma_start3A_186 : memref<16384xf32, #tpu.memory_space<hbm>>) target(%arg15 : memref<16384xf32, #tpu.memory_space<vmem>>) target_semaphore(%run_scoped3A : memref<!tpu.dma_semaphore, #tpu.memory_space<semaphore_mem>>)
      %dma_wait3A_187 = tpu.memref_slice %arg3[%mul3A_85] : memref<524288xf32, #tpu.memory_space<hbm>> -> memref<16384xf32, #tpu.memory_space<hbm>>
      %dma_wait3A_188 = tpu.memref_slice %arg3[%mul3A_85] : memref<524288xf32, #tpu.memory_space<hbm>> -> memref<16384xf32, #tpu.memory_space<hbm>>
      tpu.wait_dma2 semaphore(%run_scoped3A : memref<!tpu.dma_semaphore, #tpu.memory_space<semaphore_mem>>) src(%dma_wait3A_188 : memref<16384xf32, #tpu.memory_space<hbm>>) dst(%arg15 : memref<16384xf32, #tpu.memory_space<vmem>>)
      tpu.yield
    }) : () -> ()
    "tpu.region"() ({
      %run_scoped3A = tpu.sem_alloc : memref<!tpu.dma_semaphore, #tpu.memory_space<semaphore_mem>>
      %dma_start3A_185 = tpu.memref_slice %arg4[%mul3A_85] : memref<524288xf32, #tpu.memory_space<hbm>> -> memref<16384xf32, #tpu.memory_space<hbm>>
      %dma_start3A_186 = tpu.memref_slice %arg4[%mul3A_85] : memref<524288xf32, #tpu.memory_space<hbm>> -> memref<16384xf32, #tpu.memory_space<hbm>>
      tpu.enqueue_dma source(%dma_start3A_186 : memref<16384xf32, #tpu.memory_space<hbm>>) target(%arg16 : memref<16384xf32, #tpu.memory_space<vmem>>) target_semaphore(%run_scoped3A : memref<!tpu.dma_semaphore, #tpu.memory_space<semaphore_mem>>)
      %dma_wait3A_187 = tpu.memref_slice %arg4[%mul3A_85] : memref<524288xf32, #tpu.memory_space<hbm>> -> memref<16384xf32, #tpu.memory_space<hbm>>
      %dma_wait3A_188 = tpu.memref_slice %arg4[%mul3A_85] : memref<524288xf32, #tpu.memory_space<hbm>> -> memref<16384xf32, #tpu.memory_space<hbm>>
      tpu.wait_dma2 semaphore(%run_scoped3A : memref<!tpu.dma_semaphore, #tpu.memory_space<semaphore_mem>>) src(%dma_wait3A_188 : memref<16384xf32, #tpu.memory_space<hbm>>) dst(%arg16 : memref<16384xf32, #tpu.memory_space<vmem>>)
      tpu.yield
    }) : () -> ()
    "tpu.region"() ({
      %run_scoped3A = tpu.sem_alloc : memref<!tpu.dma_semaphore, #tpu.memory_space<semaphore_mem>>
      %dma_start3A_185 = tpu.memref_slice %arg5[%mul3A_85] : memref<524288xf32, #tpu.memory_space<hbm>> -> memref<16384xf32, #tpu.memory_space<hbm>>
      %dma_start3A_186 = tpu.memref_slice %arg5[%mul3A_85] : memref<524288xf32, #tpu.memory_space<hbm>> -> memref<16384xf32, #tpu.memory_space<hbm>>
      tpu.enqueue_dma source(%dma_start3A_186 : memref<16384xf32, #tpu.memory_space<hbm>>) target(%arg17 : memref<16384xf32, #tpu.memory_space<vmem>>) target_semaphore(%run_scoped3A : memref<!tpu.dma_semaphore, #tpu.memory_space<semaphore_mem>>)
      %dma_wait3A_187 = tpu.memref_slice %arg5[%mul3A_85] : memref<524288xf32, #tpu.memory_space<hbm>> -> memref<16384xf32, #tpu.memory_space<hbm>>
      %dma_wait3A_188 = tpu.memref_slice %arg5[%mul3A_85] : memref<524288xf32, #tpu.memory_space<hbm>> -> memref<16384xf32, #tpu.memory_space<hbm>>
      tpu.wait_dma2 semaphore(%run_scoped3A : memref<!tpu.dma_semaphore, #tpu.memory_space<semaphore_mem>>) src(%dma_wait3A_188 : memref<16384xf32, #tpu.memory_space<hbm>>) dst(%arg17 : memref<16384xf32, #tpu.memory_space<vmem>>)
      tpu.yield
    }) : () -> ()
    "tpu.region"() ({
      %run_scoped3A = tpu.sem_alloc : memref<!tpu.dma_semaphore, #tpu.memory_space<semaphore_mem>>
      %dma_start3A_185 = tpu.memref_slice %arg6[%mul3A_85] : memref<524288xf32, #tpu.memory_space<hbm>> -> memref<16384xf32, #tpu.memory_space<hbm>>
      %dma_start3A_186 = tpu.memref_slice %arg6[%mul3A_85] : memref<524288xf32, #tpu.memory_space<hbm>> -> memref<16384xf32, #tpu.memory_space<hbm>>
      tpu.enqueue_dma source(%dma_start3A_186 : memref<16384xf32, #tpu.memory_space<hbm>>) target(%arg18 : memref<16384xf32, #tpu.memory_space<vmem>>) target_semaphore(%run_scoped3A : memref<!tpu.dma_semaphore, #tpu.memory_space<semaphore_mem>>)
      %dma_wait3A_187 = tpu.memref_slice %arg6[%mul3A_85] : memref<524288xf32, #tpu.memory_space<hbm>> -> memref<16384xf32, #tpu.memory_space<hbm>>
      %dma_wait3A_188 = tpu.memref_slice %arg6[%mul3A_85] : memref<524288xf32, #tpu.memory_space<hbm>> -> memref<16384xf32, #tpu.memory_space<hbm>>
      tpu.wait_dma2 semaphore(%run_scoped3A : memref<!tpu.dma_semaphore, #tpu.memory_space<semaphore_mem>>) src(%dma_wait3A_188 : memref<16384xf32, #tpu.memory_space<hbm>>) dst(%arg18 : memref<16384xf32, #tpu.memory_space<vmem>>)
      tpu.yield
    }) : () -> ()
    "tpu.region"() ({
      %run_scoped3A = tpu.sem_alloc : memref<!tpu.dma_semaphore, #tpu.memory_space<semaphore_mem>>
      tpu.enqueue_dma source(%arg7 : memref<16xf32, #tpu.memory_space<hbm>>) target(%arg19 : memref<16xf32, #tpu.memory_space<vmem>>) target_semaphore(%run_scoped3A : memref<!tpu.dma_semaphore, #tpu.memory_space<semaphore_mem>>)
      tpu.wait_dma2 semaphore(%run_scoped3A : memref<!tpu.dma_semaphore, #tpu.memory_space<semaphore_mem>>) src(%arg7 : memref<16xf32, #tpu.memory_space<hbm>>) dst(%arg19 : memref<16xf32, #tpu.memory_space<vmem>>)
      tpu.yield
    }) : () -> ()
    "tpu.region"() ({
      %run_scoped3A = tpu.sem_alloc : memref<!tpu.dma_semaphore, #tpu.memory_space<semaphore_mem>>
      tpu.enqueue_dma source(%arg8 : memref<16xf32, #tpu.memory_space<hbm>>) target(%arg20 : memref<16xf32, #tpu.memory_space<vmem>>) target_semaphore(%run_scoped3A : memref<!tpu.dma_semaphore, #tpu.memory_space<semaphore_mem>>)
      tpu.wait_dma2 semaphore(%run_scoped3A : memref<!tpu.dma_semaphore, #tpu.memory_space<semaphore_mem>>) src(%arg8 : memref<16xf32, #tpu.memory_space<hbm>>) dst(%arg20 : memref<16xf32, #tpu.memory_space<vmem>>)
      tpu.yield
    }) : () -> ()
    %dma_wait3A = arith.constant 0 : i32
    %dma_wait3A_86 = arith.constant 0 : i32
    %dma_wait3A_87 = arith.constant 0 : i32
    %dma_wait3A_88 = tpu.memref_slice %arg13[%dma_wait3A_86, %dma_wait3A_87] : memref<512x32xf32, #tpu.memory_space<vmem>> -> memref<128x32xf32, #tpu.memory_space<vmem>>
    %dma_wait3A_89 = arith.constant 0 : i32
    %dma_wait3A_90 = tpu.memref_slice %arg12[%dma_wait3A, %dma_wait3A_89] : memref<4x128xi32, #tpu.memory_space<vmem>> -> memref<1x128xi32, #tpu.memory_space<vmem>>
    %dma_wait3A_91 = tpu.memref_squeeze %dma_wait3A_90 : memref<1x128xi32, #tpu.memory_space<vmem>> -> memref<128xi32, #tpu.memory_space<vmem>>
    %dma_wait3A_92 = arith.constant 0 : i32
    %dma_wait3A_93 = arith.constant 0 : i32
    %dma_wait3A_94 = tpu.memref_slice %arg9[%dma_wait3A_92, %dma_wait3A_93] : memref<1000000x32xf32, #tpu.memory_space<hbm>> -> memref<1000000x32xf32, #tpu.memory_space<hbm>>
    tpu.wait_indirect_dma semaphore(%arg23 : memref<!tpu.dma_semaphore, #tpu.memory_space<semaphore_mem>>) src(%dma_wait3A_94 : memref<1000000x32xf32, #tpu.memory_space<hbm>>) dst(%dma_wait3A_88 : memref<128x32xf32, #tpu.memory_space<vmem>>)
    %dma_wait3A_95 = arith.constant 0 : i32
    %dma_wait3A_96 = arith.constant 0 : i32
    %dma_wait3A_97 = arith.constant 0 : i32
    %dma_wait3A_98 = tpu.memref_slice %arg14[%dma_wait3A_96, %dma_wait3A_97] : memref<512x32xf32, #tpu.memory_space<vmem>> -> memref<128x32xf32, #tpu.memory_space<vmem>>
    %dma_wait3A_99 = arith.constant 0 : i32
    %dma_wait3A_100 = tpu.memref_slice %arg12[%dma_wait3A_95, %dma_wait3A_99] : memref<4x128xi32, #tpu.memory_space<vmem>> -> memref<1x128xi32, #tpu.memory_space<vmem>>
    %dma_wait3A_101 = tpu.memref_squeeze %dma_wait3A_100 : memref<1x128xi32, #tpu.memory_space<vmem>> -> memref<128xi32, #tpu.memory_space<vmem>>
    %dma_wait3A_102 = arith.constant 0 : i32
    %dma_wait3A_103 = arith.constant 0 : i32
    %dma_wait3A_104 = tpu.memref_slice %arg10[%dma_wait3A_102, %dma_wait3A_103] : memref<1000000x32xf32, #tpu.memory_space<hbm>> -> memref<1000000x32xf32, #tpu.memory_space<hbm>>
    tpu.wait_indirect_dma semaphore(%arg23 : memref<!tpu.dma_semaphore, #tpu.memory_space<semaphore_mem>>) src(%dma_wait3A_104 : memref<1000000x32xf32, #tpu.memory_space<hbm>>) dst(%dma_wait3A_98 : memref<128x32xf32, #tpu.memory_space<vmem>>)
    %dma_wait3A_105 = arith.constant 1 : i32
    %dma_wait3A_106 = arith.constant 128 : i32
    %dma_wait3A_107 = arith.constant 0 : i32
    %dma_wait3A_108 = tpu.memref_slice %arg13[%dma_wait3A_106, %dma_wait3A_107] : memref<512x32xf32, #tpu.memory_space<vmem>> -> memref<128x32xf32, #tpu.memory_space<vmem>>
    %dma_wait3A_109 = arith.constant 0 : i32
    %dma_wait3A_110 = tpu.memref_slice %arg12[%dma_wait3A_105, %dma_wait3A_109] : memref<4x128xi32, #tpu.memory_space<vmem>> -> memref<1x128xi32, #tpu.memory_space<vmem>>
    %dma_wait3A_111 = tpu.memref_squeeze %dma_wait3A_110 : memref<1x128xi32, #tpu.memory_space<vmem>> -> memref<128xi32, #tpu.memory_space<vmem>>
    %dma_wait3A_112 = arith.constant 0 : i32
    %dma_wait3A_113 = arith.constant 0 : i32
    %dma_wait3A_114 = tpu.memref_slice %arg9[%dma_wait3A_112, %dma_wait3A_113] : memref<1000000x32xf32, #tpu.memory_space<hbm>> -> memref<1000000x32xf32, #tpu.memory_space<hbm>>
    tpu.wait_indirect_dma semaphore(%arg23 : memref<!tpu.dma_semaphore, #tpu.memory_space<semaphore_mem>>) src(%dma_wait3A_114 : memref<1000000x32xf32, #tpu.memory_space<hbm>>) dst(%dma_wait3A_108 : memref<128x32xf32, #tpu.memory_space<vmem>>)
    %dma_wait3A_115 = arith.constant 1 : i32
    %dma_wait3A_116 = arith.constant 128 : i32
    %dma_wait3A_117 = arith.constant 0 : i32
    %dma_wait3A_118 = tpu.memref_slice %arg14[%dma_wait3A_116, %dma_wait3A_117] : memref<512x32xf32, #tpu.memory_space<vmem>> -> memref<128x32xf32, #tpu.memory_space<vmem>>
    %dma_wait3A_119 = arith.constant 0 : i32
    %dma_wait3A_120 = tpu.memref_slice %arg12[%dma_wait3A_115, %dma_wait3A_119] : memref<4x128xi32, #tpu.memory_space<vmem>> -> memref<1x128xi32, #tpu.memory_space<vmem>>
    %dma_wait3A_121 = tpu.memref_squeeze %dma_wait3A_120 : memref<1x128xi32, #tpu.memory_space<vmem>> -> memref<128xi32, #tpu.memory_space<vmem>>
    %dma_wait3A_122 = arith.constant 0 : i32
    %dma_wait3A_123 = arith.constant 0 : i32
    %dma_wait3A_124 = tpu.memref_slice %arg10[%dma_wait3A_122, %dma_wait3A_123] : memref<1000000x32xf32, #tpu.memory_space<hbm>> -> memref<1000000x32xf32, #tpu.memory_space<hbm>>
    tpu.wait_indirect_dma semaphore(%arg23 : memref<!tpu.dma_semaphore, #tpu.memory_space<semaphore_mem>>) src(%dma_wait3A_124 : memref<1000000x32xf32, #tpu.memory_space<hbm>>) dst(%dma_wait3A_118 : memref<128x32xf32, #tpu.memory_space<vmem>>)
    %dma_wait3A_125 = arith.constant 2 : i32
    %dma_wait3A_126 = arith.constant 256 : i32
    %dma_wait3A_127 = arith.constant 0 : i32
    %dma_wait3A_128 = tpu.memref_slice %arg13[%dma_wait3A_126, %dma_wait3A_127] : memref<512x32xf32, #tpu.memory_space<vmem>> -> memref<128x32xf32, #tpu.memory_space<vmem>>
    %dma_wait3A_129 = arith.constant 0 : i32
    %dma_wait3A_130 = tpu.memref_slice %arg12[%dma_wait3A_125, %dma_wait3A_129] : memref<4x128xi32, #tpu.memory_space<vmem>> -> memref<1x128xi32, #tpu.memory_space<vmem>>
    %dma_wait3A_131 = tpu.memref_squeeze %dma_wait3A_130 : memref<1x128xi32, #tpu.memory_space<vmem>> -> memref<128xi32, #tpu.memory_space<vmem>>
    %dma_wait3A_132 = arith.constant 0 : i32
    %dma_wait3A_133 = arith.constant 0 : i32
    %dma_wait3A_134 = tpu.memref_slice %arg9[%dma_wait3A_132, %dma_wait3A_133] : memref<1000000x32xf32, #tpu.memory_space<hbm>> -> memref<1000000x32xf32, #tpu.memory_space<hbm>>
    tpu.wait_indirect_dma semaphore(%arg23 : memref<!tpu.dma_semaphore, #tpu.memory_space<semaphore_mem>>) src(%dma_wait3A_134 : memref<1000000x32xf32, #tpu.memory_space<hbm>>) dst(%dma_wait3A_128 : memref<128x32xf32, #tpu.memory_space<vmem>>)
    %dma_wait3A_135 = arith.constant 2 : i32
    %dma_wait3A_136 = arith.constant 256 : i32
    %dma_wait3A_137 = arith.constant 0 : i32
    %dma_wait3A_138 = tpu.memref_slice %arg14[%dma_wait3A_136, %dma_wait3A_137] : memref<512x32xf32, #tpu.memory_space<vmem>> -> memref<128x32xf32, #tpu.memory_space<vmem>>
    %dma_wait3A_139 = arith.constant 0 : i32
    %dma_wait3A_140 = tpu.memref_slice %arg12[%dma_wait3A_135, %dma_wait3A_139] : memref<4x128xi32, #tpu.memory_space<vmem>> -> memref<1x128xi32, #tpu.memory_space<vmem>>
    %dma_wait3A_141 = tpu.memref_squeeze %dma_wait3A_140 : memref<1x128xi32, #tpu.memory_space<vmem>> -> memref<128xi32, #tpu.memory_space<vmem>>
    %dma_wait3A_142 = arith.constant 0 : i32
    %dma_wait3A_143 = arith.constant 0 : i32
    %dma_wait3A_144 = tpu.memref_slice %arg10[%dma_wait3A_142, %dma_wait3A_143] : memref<1000000x32xf32, #tpu.memory_space<hbm>> -> memref<1000000x32xf32, #tpu.memory_space<hbm>>
    tpu.wait_indirect_dma semaphore(%arg23 : memref<!tpu.dma_semaphore, #tpu.memory_space<semaphore_mem>>) src(%dma_wait3A_144 : memref<1000000x32xf32, #tpu.memory_space<hbm>>) dst(%dma_wait3A_138 : memref<128x32xf32, #tpu.memory_space<vmem>>)
    %dma_wait3A_145 = arith.constant 3 : i32
    %dma_wait3A_146 = arith.constant 384 : i32
    %dma_wait3A_147 = arith.constant 0 : i32
    %dma_wait3A_148 = tpu.memref_slice %arg13[%dma_wait3A_146, %dma_wait3A_147] : memref<512x32xf32, #tpu.memory_space<vmem>> -> memref<128x32xf32, #tpu.memory_space<vmem>>
    %dma_wait3A_149 = arith.constant 0 : i32
    %dma_wait3A_150 = tpu.memref_slice %arg12[%dma_wait3A_145, %dma_wait3A_149] : memref<4x128xi32, #tpu.memory_space<vmem>> -> memref<1x128xi32, #tpu.memory_space<vmem>>
    %dma_wait3A_151 = tpu.memref_squeeze %dma_wait3A_150 : memref<1x128xi32, #tpu.memory_space<vmem>> -> memref<128xi32, #tpu.memory_space<vmem>>
    %dma_wait3A_152 = arith.constant 0 : i32
    %dma_wait3A_153 = arith.constant 0 : i32
    %dma_wait3A_154 = tpu.memref_slice %arg9[%dma_wait3A_152, %dma_wait3A_153] : memref<1000000x32xf32, #tpu.memory_space<hbm>> -> memref<1000000x32xf32, #tpu.memory_space<hbm>>
    tpu.wait_indirect_dma semaphore(%arg23 : memref<!tpu.dma_semaphore, #tpu.memory_space<semaphore_mem>>) src(%dma_wait3A_154 : memref<1000000x32xf32, #tpu.memory_space<hbm>>) dst(%dma_wait3A_148 : memref<128x32xf32, #tpu.memory_space<vmem>>)
    %dma_wait3A_155 = arith.constant 3 : i32
    %dma_wait3A_156 = arith.constant 384 : i32
    %dma_wait3A_157 = arith.constant 0 : i32
    %dma_wait3A_158 = tpu.memref_slice %arg14[%dma_wait3A_156, %dma_wait3A_157] : memref<512x32xf32, #tpu.memory_space<vmem>> -> memref<128x32xf32, #tpu.memory_space<vmem>>
    %dma_wait3A_159 = arith.constant 0 : i32
    %dma_wait3A_160 = tpu.memref_slice %arg12[%dma_wait3A_155, %dma_wait3A_159] : memref<4x128xi32, #tpu.memory_space<vmem>> -> memref<1x128xi32, #tpu.memory_space<vmem>>
    %dma_wait3A_161 = tpu.memref_squeeze %dma_wait3A_160 : memref<1x128xi32, #tpu.memory_space<vmem>> -> memref<128xi32, #tpu.memory_space<vmem>>
    %dma_wait3A_162 = arith.constant 0 : i32
    %dma_wait3A_163 = arith.constant 0 : i32
    %dma_wait3A_164 = tpu.memref_slice %arg10[%dma_wait3A_162, %dma_wait3A_163] : memref<1000000x32xf32, #tpu.memory_space<hbm>> -> memref<1000000x32xf32, #tpu.memory_space<hbm>>
    tpu.wait_indirect_dma semaphore(%arg23 : memref<!tpu.dma_semaphore, #tpu.memory_space<semaphore_mem>>) src(%dma_wait3A_164 : memref<1000000x32xf32, #tpu.memory_space<hbm>>) dst(%dma_wait3A_158 : memref<128x32xf32, #tpu.memory_space<vmem>>)
    %get3A = arith.constant 0 : index
    %get3A_165 = tpu.vector_load %arg19[%get3A] {strides = array<i32>} : memref<16xf32, #tpu.memory_space<vmem>>, vector<16xf32>,
    %exp3A = math.exp %get3A_165 : vector<16xf32>
    %get3A_166 = arith.constant 0 : index
    %get3A_167 = tpu.vector_load %arg20[%get3A_166] {strides = array<i32>} : memref<16xf32, #tpu.memory_space<vmem>>, vector<16xf32>,
    %iota3A = tpu.iota {dimensions = array<i32: 0>} : vector<16xi32>
    %mul3A_168 = arith.constant 512 : i32
    %mul3A_169 = vector.broadcast %mul3A_168 : i32 to vector<16xi32>
    %mul3A_170 = arith.muli %iota3A, %mul3A_169 : vector<16xi32>
    %scan3A = arith.constant 0 : i32
    %scan3A_171 = arith.constant 5.000000e-01 : f32
    %scan3A_172 = arith.constant 0 : i32
    %scan3A_173 = arith.constant 512 : i32
    %scan3A_174 = arith.addi %scan3A_172, %scan3A_173 : i32
    %scan3A_175 = arith.constant 1 : i32
    scf.for %scan3A_185 = %scan3A_172 to %scan3A_174 step %scan3A_175  : i32 {
      %mul3A_186 = arith.constant 32 : i32
      %mul3A_187 = arith.muli %scan3A_185, %mul3A_186 : i32
      %get3A_188 = arith.index_cast %scan3A_185 : i32 to index
      %get3A_189 = arith.constant 0 : index
      %get3A_190 = tpu.vector_load %arg13[%get3A_188, %get3A_189] {strides = array<i32>} : memref<512x32xf32, #tpu.memory_space<vmem>>, vector<16xf32>,
      %get3A_191 = arith.index_cast %scan3A_185 : i32 to index
      %get3A_192 = arith.constant 16 : index
      %get3A_193 = tpu.vector_load %arg13[%get3A_191, %get3A_192] {strides = array<i32>} : memref<512x32xf32, #tpu.memory_space<vmem>>, vector<16xf32>,
      %get3A_194 = arith.index_cast %scan3A_185 : i32 to index
      %get3A_195 = arith.constant 0 : index
      %get3A_196 = tpu.vector_load %arg14[%get3A_194, %get3A_195] {strides = array<i32>} : memref<512x32xf32, #tpu.memory_space<vmem>>, vector<16xf32>,
      %get3A_197 = arith.index_cast %scan3A_185 : i32 to index
      %get3A_198 = arith.constant 16 : index
      %get3A_199 = tpu.vector_load %arg14[%get3A_197, %get3A_198] {strides = array<i32>} : memref<512x32xf32, #tpu.memory_space<vmem>>, vector<16xf32>,
      %get3A_200 = arith.index_cast %mul3A_187 : i32 to index
      %get3A_201 = tpu.vector_load %arg17[%get3A_200] {strides = array<i32>} : memref<16384xf32, #tpu.memory_space<vmem>>, vector<16xf32>,
      %sub3A = arith.subf %get3A_190, %get3A_201 : vector<16xf32>
      %get3A_202 = arith.index_cast %mul3A_187 : i32 to index
      %get3A_203 = tpu.vector_load %arg15[%get3A_202] {strides = array<i32>} : memref<16384xf32, #tpu.memory_space<vmem>>, vector<16xf32>,
      %mul3A_204 = vector.broadcast %scan3A_171 : f32 to vector<16xf32>
      %mul3A_205 = arith.mulf %mul3A_204, %get3A_196 : vector<16xf32>
      %exp3A_206 = math.exp %mul3A_205 : vector<16xf32>
      %mul3A_207 = arith.mulf %get3A_203, %exp3A_206 : vector<16xf32>
      %add3A_208 = arith.addf %sub3A, %mul3A_207 : vector<16xf32>
      %get3A_209 = arith.index_cast %mul3A_187 : i32 to index
      %get3A_210 = tpu.vector_load %arg16[%get3A_209] {strides = array<i32>} : memref<16384xf32, #tpu.memory_space<vmem>>, vector<16xf32>,
      %get3A_211 = arith.index_cast %mul3A_187 : i32 to index
      %get3A_212 = tpu.vector_load %arg18[%get3A_211] {strides = array<i32>} : memref<16384xf32, #tpu.memory_space<vmem>>, vector<16xf32>,
      %mul3A_213 = vector.broadcast %scan3A_171 : f32 to vector<16xf32>
      %mul3A_214 = arith.mulf %mul3A_213, %get3A_212 : vector<16xf32>
      %exp3A_215 = math.exp %mul3A_214 : vector<16xf32>
      %mul3A_216 = arith.mulf %get3A_210, %exp3A_215 : vector<16xf32>
      %sub3A_217 = arith.subf %add3A_208, %mul3A_216 : vector<16xf32>
      %add3A_218 = arith.constant 16 : i32
      %add3A_219 = arith.addi %mul3A_187, %add3A_218 : i32
      %get3A_220 = arith.index_cast %add3A_219 : i32 to index
      %get3A_221 = tpu.vector_load %arg17[%get3A_220] {strides = array<i32>} : memref<16384xf32, #tpu.memory_space<vmem>>, vector<16xf32>,
      %sub3A_222 = arith.subf %get3A_193, %get3A_221 : vector<16xf32>
      %add3A_223 = arith.constant 16 : i32
      %add3A_224 = arith.addi %mul3A_187, %add3A_223 : i32
      %get3A_225 = arith.index_cast %add3A_224 : i32 to index
      %get3A_226 = tpu.vector_load %arg15[%get3A_225] {strides = array<i32>} : memref<16384xf32, #tpu.memory_space<vmem>>, vector<16xf32>,
      %mul3A_227 = vector.broadcast %scan3A_171 : f32 to vector<16xf32>
      %mul3A_228 = arith.mulf %mul3A_227, %get3A_199 : vector<16xf32>
      %exp3A_229 = math.exp %mul3A_228 : vector<16xf32>
      %mul3A_230 = arith.mulf %get3A_226, %exp3A_229 : vector<16xf32>
      %add3A_231 = arith.addf %sub3A_222, %mul3A_230 : vector<16xf32>
      %add3A_232 = arith.constant 16 : i32
      %add3A_233 = arith.addi %mul3A_187, %add3A_232 : i32
      %get3A_234 = arith.index_cast %add3A_233 : i32 to index
      %get3A_235 = tpu.vector_load %arg16[%get3A_234] {strides = array<i32>} : memref<16384xf32, #tpu.memory_space<vmem>>, vector<16xf32>,
      %add3A_236 = arith.constant 16 : i32
      %add3A_237 = arith.addi %mul3A_187, %add3A_236 : i32
      %get3A_238 = arith.index_cast %add3A_237 : i32 to index
      %get3A_239 = tpu.vector_load %arg18[%get3A_238] {strides = array<i32>} : memref<16384xf32, #tpu.memory_space<vmem>>, vector<16xf32>,
      %mul3A_240 = vector.broadcast %scan3A_171 : f32 to vector<16xf32>
      %mul3A_241 = arith.mulf %mul3A_240, %get3A_239 : vector<16xf32>
      %exp3A_242 = math.exp %mul3A_241 : vector<16xf32>
      %mul3A_243 = arith.mulf %get3A_235, %exp3A_242 : vector<16xf32>
      %sub3A_244 = arith.subf %add3A_231, %mul3A_243 : vector<16xf32>
      %mul3A_245 = arith.mulf %sub3A_217, %sub3A_217 : vector<16xf32>
      %mul3A_246 = arith.mulf %sub3A_244, %sub3A_244 : vector<16xf32>
      %add3A_247 = arith.addf %mul3A_245, %mul3A_246 : vector<16xf32>
      %add3A_248 = vector.broadcast %scan3A_185 : i32 to vector<16xi32>
      %add3A_249 = arith.addi %mul3A_170, %add3A_248 : vector<16xi32>
      tpu.vector_store_idx %arg21[%add3A_249], %add3A_247 : memref<8192xf32, #tpu.memory_space<vmem>>[vector<16xi32>], vector<16xf32>,
    }
    %scan3A_176 = arith.constant 512 : i32
    %scan3A_177 = arith.constant 0 : i32
    %scan3A_178 = arith.constant 5.000000e-01 : f32
    %scan3A_179 = arith.constant 1.000000e+00 : f32
    %scan3A_180 = arith.constant 0 : i32
    %scan3A_181 = arith.constant 32 : i32
    %scan3A_182 = arith.addi %scan3A_180, %scan3A_181 : i32
    %scan3A_183 = arith.constant 1 : i32
    scf.for %scan3A_185 = %scan3A_180 to %scan3A_182 step %scan3A_183  : i32 {
      %mul3A_186 = arith.constant 16 : i32
      %mul3A_187 = arith.muli %scan3A_185, %mul3A_186 : i32
      %get3A_188 = arith.index_cast %mul3A_187 : i32 to index
      %get3A_189 = tpu.vector_load %arg21[%get3A_188] {strides = array<i32>} : memref<8192xf32, #tpu.memory_space<vmem>>, vector<16xf32>,
      %add3A_190 = arith.constant 512 : i32
      %add3A_191 = arith.addi %add3A_190, %mul3A_187 : i32
      %get3A_192 = arith.index_cast %add3A_191 : i32 to index
      %get3A_193 = tpu.vector_load %arg21[%get3A_192] {strides = array<i32>} : memref<8192xf32, #tpu.memory_space<vmem>>, vector<16xf32>,
      %add3A_194 = arith.addf %get3A_189, %get3A_193 : vector<16xf32>
      %add3A_195 = arith.constant 1024 : i32
      %add3A_196 = arith.addi %add3A_195, %mul3A_187 : i32
      %get3A_197 = arith.index_cast %add3A_196 : i32 to index
      %get3A_198 = tpu.vector_load %arg21[%get3A_197] {strides = array<i32>} : memref<8192xf32, #tpu.memory_space<vmem>>, vector<16xf32>,
      %add3A_199 = arith.addf %add3A_194, %get3A_198 : vector<16xf32>
      %add3A_200 = arith.constant 1536 : i32
      %add3A_201 = arith.addi %add3A_200, %mul3A_187 : i32
      %get3A_202 = arith.index_cast %add3A_201 : i32 to index
      %get3A_203 = tpu.vector_load %arg21[%get3A_202] {strides = array<i32>} : memref<8192xf32, #tpu.memory_space<vmem>>, vector<16xf32>,
      %add3A_204 = arith.addf %add3A_199, %get3A_203 : vector<16xf32>
      %add3A_205 = arith.constant 2048 : i32
      %add3A_206 = arith.addi %add3A_205, %mul3A_187 : i32
      %get3A_207 = arith.index_cast %add3A_206 : i32 to index
      %get3A_208 = tpu.vector_load %arg21[%get3A_207] {strides = array<i32>} : memref<8192xf32, #tpu.memory_space<vmem>>, vector<16xf32>,
      %add3A_209 = arith.addf %add3A_204, %get3A_208 : vector<16xf32>
      %add3A_210 = arith.constant 2560 : i32
      %add3A_211 = arith.addi %add3A_210, %mul3A_187 : i32
      %get3A_212 = arith.index_cast %add3A_211 : i32 to index
      %get3A_213 = tpu.vector_load %arg21[%get3A_212] {strides = array<i32>} : memref<8192xf32, #tpu.memory_space<vmem>>, vector<16xf32>,
      %add3A_214 = arith.addf %add3A_209, %get3A_213 : vector<16xf32>
      %add3A_215 = arith.constant 3072 : i32
      %add3A_216 = arith.addi %add3A_215, %mul3A_187 : i32
      %get3A_217 = arith.index_cast %add3A_216 : i32 to index
      %get3A_218 = tpu.vector_load %arg21[%get3A_217] {strides = array<i32>} : memref<8192xf32, #tpu.memory_space<vmem>>, vector<16xf32>,
      %add3A_219 = arith.addf %add3A_214, %get3A_218 : vector<16xf32>
      %add3A_220 = arith.constant 3584 : i32
      %add3A_221 = arith.addi %add3A_220, %mul3A_187 : i32
      %get3A_222 = arith.index_cast %add3A_221 : i32 to index
      %get3A_223 = tpu.vector_load %arg21[%get3A_222] {strides = array<i32>} : memref<8192xf32, #tpu.memory_space<vmem>>, vector<16xf32>,
      %add3A_224 = arith.addf %add3A_219, %get3A_223 : vector<16xf32>
      %add3A_225 = arith.constant 4096 : i32
      %add3A_226 = arith.addi %add3A_225, %mul3A_187 : i32
      %get3A_227 = arith.index_cast %add3A_226 : i32 to index
      %get3A_228 = tpu.vector_load %arg21[%get3A_227] {strides = array<i32>} : memref<8192xf32, #tpu.memory_space<vmem>>, vector<16xf32>,
      %add3A_229 = arith.addf %add3A_224, %get3A_228 : vector<16xf32>
      %add3A_230 = arith.constant 4608 : i32
      %add3A_231 = arith.addi %add3A_230, %mul3A_187 : i32
      %get3A_232 = arith.index_cast %add3A_231 : i32 to index
      %get3A_233 = tpu.vector_load %arg21[%get3A_232] {strides = array<i32>} : memref<8192xf32, #tpu.memory_space<vmem>>, vector<16xf32>,
      %add3A_234 = arith.addf %add3A_229, %get3A_233 : vector<16xf32>
      %add3A_235 = arith.constant 5120 : i32
      %add3A_236 = arith.addi %add3A_235, %mul3A_187 : i32
      %get3A_237 = arith.index_cast %add3A_236 : i32 to index
      %get3A_238 = tpu.vector_load %arg21[%get3A_237] {strides = array<i32>} : memref<8192xf32, #tpu.memory_space<vmem>>, vector<16xf32>,
      %add3A_239 = arith.addf %add3A_234, %get3A_238 : vector<16xf32>
      %add3A_240 = arith.constant 5632 : i32
      %add3A_241 = arith.addi %add3A_240, %mul3A_187 : i32
      %get3A_242 = arith.index_cast %add3A_241 : i32 to index
      %get3A_243 = tpu.vector_load %arg21[%get3A_242] {strides = array<i32>} : memref<8192xf32, #tpu.memory_space<vmem>>, vector<16xf32>,
      %add3A_244 = arith.addf %add3A_239, %get3A_243 : vector<16xf32>
      %add3A_245 = arith.constant 6144 : i32
      %add3A_246 = arith.addi %add3A_245, %mul3A_187 : i32
      %get3A_247 = arith.index_cast %add3A_246 : i32 to index
      %get3A_248 = tpu.vector_load %arg21[%get3A_247] {strides = array<i32>} : memref<8192xf32, #tpu.memory_space<vmem>>, vector<16xf32>,
      %add3A_249 = arith.addf %add3A_244, %get3A_248 : vector<16xf32>
      %add3A_250 = arith.constant 6656 : i32
      %add3A_251 = arith.addi %add3A_250, %mul3A_187 : i32
      %get3A_252 = arith.index_cast %add3A_251 : i32 to index
      %get3A_253 = tpu.vector_load %arg21[%get3A_252] {strides = array<i32>} : memref<8192xf32, #tpu.memory_space<vmem>>, vector<16xf32>,
      %add3A_254 = arith.addf %add3A_249, %get3A_253 : vector<16xf32>
      %add3A_255 = arith.constant 7168 : i32
      %add3A_256 = arith.addi %add3A_255, %mul3A_187 : i32
      %get3A_257 = arith.index_cast %add3A_256 : i32 to index
      %get3A_258 = tpu.vector_load %arg21[%get3A_257] {strides = array<i32>} : memref<8192xf32, #tpu.memory_space<vmem>>, vector<16xf32>,
      %add3A_259 = arith.addf %add3A_254, %get3A_258 : vector<16xf32>
      %add3A_260 = arith.constant 7680 : i32
      %add3A_261 = arith.addi %add3A_260, %mul3A_187 : i32
      %get3A_262 = arith.index_cast %add3A_261 : i32 to index
      %get3A_263 = tpu.vector_load %arg21[%get3A_262] {strides = array<i32>} : memref<8192xf32, #tpu.memory_space<vmem>>, vector<16xf32>,
      %add3A_264 = arith.addf %add3A_259, %get3A_263 : vector<16xf32>
      %bitcast_convert_type3A = tpu.bitcast %add3A_264 : vector<16xf32> -> vector<16xi32>
      %shift_right_arithmetic3A = arith.constant 1 : i32
      %shift_right_arithmetic3A_265 = vector.broadcast %shift_right_arithmetic3A : i32 to vector<16xi32>
      %shift_right_arithmetic3A_266 = arith.shrsi %bitcast_convert_type3A, %shift_right_arithmetic3A_265 : vector<16xi32>
      %sub3A = arith.constant 1597463007 : i32
      %sub3A_267 = vector.broadcast %sub3A : i32 to vector<16xi32>
      %sub3A_268 = arith.subi %sub3A_267, %shift_right_arithmetic3A_266 : vector<16xi32>
      %bitcast_convert_type3A_269 = tpu.bitcast %sub3A_268 : vector<16xi32> -> vector<16xf32>
      %mul3A_270 = vector.broadcast %scan3A_178 : f32 to vector<16xf32>
      %mul3A_271 = arith.mulf %mul3A_270, %add3A_264 : vector<16xf32>
      %mul3A_272 = arith.mulf %mul3A_271, %bitcast_convert_type3A_269 : vector<16xf32>
      %mul3A_273 = arith.mulf %mul3A_272, %bitcast_convert_type3A_269 : vector<16xf32>
      %sub3A_274 = arith.constant 1.500000e+00 : f32
      %sub3A_275 = vector.broadcast %sub3A_274 : f32 to vector<16xf32>
      %sub3A_276 = arith.subf %sub3A_275, %mul3A_273 : vector<16xf32>
      %mul3A_277 = arith.mulf %bitcast_convert_type3A_269, %sub3A_276 : vector<16xf32>
      %mul3A_278 = vector.broadcast %scan3A_178 : f32 to vector<16xf32>
      %mul3A_279 = arith.mulf %mul3A_278, %add3A_264 : vector<16xf32>
      %mul3A_280 = arith.mulf %mul3A_279, %mul3A_277 : vector<16xf32>
      %mul3A_281 = arith.mulf %mul3A_280, %mul3A_277 : vector<16xf32>
      %sub3A_282 = arith.constant 1.500000e+00 : f32
      %sub3A_283 = vector.broadcast %sub3A_282 : f32 to vector<16xf32>
      %sub3A_284 = arith.subf %sub3A_283, %mul3A_281 : vector<16xf32>
      %mul3A_285 = arith.mulf %mul3A_277, %sub3A_284 : vector<16xf32>
      %mul3A_286 = vector.broadcast %scan3A_178 : f32 to vector<16xf32>
      %mul3A_287 = arith.mulf %mul3A_286, %add3A_264 : vector<16xf32>
      %mul3A_288 = arith.mulf %mul3A_287, %mul3A_285 : vector<16xf32>
      %mul3A_289 = arith.mulf %mul3A_288, %mul3A_285 : vector<16xf32>
      %sub3A_290 = arith.constant 1.500000e+00 : f32
      %sub3A_291 = vector.broadcast %sub3A_290 : f32 to vector<16xf32>
      %sub3A_292 = arith.subf %sub3A_291, %mul3A_289 : vector<16xf32>
      %mul3A_293 = arith.mulf %mul3A_285, %sub3A_292 : vector<16xf32>
      %mul3A_294 = arith.mulf %add3A_264, %mul3A_293 : vector<16xf32>
      %mul3A_295 = arith.mulf %exp3A, %mul3A_294 : vector<16xf32>
      %sub3A_296 = arith.subf %get3A_167, %mul3A_295 : vector<16xf32>
      %neg3A = arith.constant 0.000000e+00 : f32
      %neg3A_297 = vector.broadcast %neg3A : f32 to vector<16xf32>
      %neg3A_298 = arith.subf %neg3A_297, %sub3A_296 : vector<16xf32>
      %exp3A_299 = math.exp %neg3A_298 : vector<16xf32>
      %add3A_300 = vector.broadcast %scan3A_179 : f32 to vector<16xf32>
      %add3A_301 = arith.addf %add3A_300, %exp3A_299 : vector<16xf32>
      %div3A = vector.broadcast %scan3A_179 : f32 to vector<16xf32>
      %div3A_302 = arith.divf %div3A, %add3A_301 : vector<16xf32>
      %swap3A = arith.index_cast %mul3A_187 : i32 to index
      %swap3A_303 = tpu.vector_load %arg22[%swap3A] {strides = array<i32>} : memref<512xf32, #tpu.memory_space<vmem>>, vector<16xf32>,
      tpu.vector_store %arg22[%swap3A], %div3A_302 {strides = array<i32>} : memref<512xf32, #tpu.memory_space<vmem>>, vector<16xf32>,
    }
    %scan3A_184 = arith.constant 32 : i32
    "tpu.region"() ({
      %run_scoped3A = tpu.sem_alloc : memref<!tpu.dma_semaphore, #tpu.memory_space<semaphore_mem>>
      %dma_start3A_185 = tpu.memref_slice %arg11[%mul3A_2] : memref<16384xf32, #tpu.memory_space<hbm>> -> memref<512xf32, #tpu.memory_space<hbm>>
      %dma_start3A_186 = tpu.memref_slice %arg11[%mul3A_2] : memref<16384xf32, #tpu.memory_space<hbm>> -> memref<512xf32, #tpu.memory_space<hbm>>
      tpu.enqueue_dma source(%arg22 : memref<512xf32, #tpu.memory_space<vmem>>) target(%dma_start3A_186 : memref<512xf32, #tpu.memory_space<hbm>>) target_semaphore(%run_scoped3A : memref<!tpu.dma_semaphore, #tpu.memory_space<semaphore_mem>>)
      %dma_wait3A_187 = tpu.memref_slice %arg11[%mul3A_2] : memref<16384xf32, #tpu.memory_space<hbm>> -> memref<512xf32, #tpu.memory_space<hbm>>
      %dma_wait3A_188 = tpu.memref_slice %arg11[%mul3A_2] : memref<16384xf32, #tpu.memory_space<hbm>> -> memref<512xf32, #tpu.memory_space<hbm>>
      tpu.wait_dma2 semaphore(%run_scoped3A : memref<!tpu.dma_semaphore, #tpu.memory_space<semaphore_mem>>) src(%arg22 : memref<512xf32, #tpu.memory_space<vmem>>) dst(%dma_wait3A_188 : memref<512xf32, #tpu.memory_space<hbm>>)
      tpu.yield
    }) : () -> ()
    return
  }
}

</mosaic_0001>

<sc_bundles>
// kernel: kernel.3.cloned.1.call-start
scs
__scs_entry_jumppad:
0x0: {  	(pc) =	sbr.rel $0x88, $3  }
0x1: {  	(tag) =	ssettag $0x0;
	lr =	simm.s32 $0x1  }
0x2: {  	[smem:$0x3F9A] =	sst lr;
	_ =	strace $0xD0000000  }
0x3: {  	_ = 	snop  }
0x4: {  	_ = 	snop  }
0x5: {  	_ = 	snop  }
0x6: {  	_ = 	snop  }
0x7: {  	_ = 	snop  }
__scs_overlays_trampoline_lowered:
0x8: {  	[smem:$0x3FA9] =	sst s0  }
0x9: {  	[smem:$0x3FAA] =	sst s1  }
0xa: {  	[smem:$0x3FAB] =	sst s2  }
0xb: {  	[smem:$0x3FAC] =	sst s3  }
0xc: {  	[smem:$0x3FAD] =	sst s4  }
0xd: {  	[smem:$0x3FAE] =	sst s5  }
0xe: {  	[smem:$0x3FAF] =	sst s6  }
0xf: {  	[smem:$0x3FB0] =	sst s7  }
0x10: {  	[smem:$0x3FB1] =	sst s8  }
0x11: {  	[smem:$0x3FB2] =	sst s9;
	s0 =	simm.s32 @!p0 $0x0  }
0x12: {  	s1 =	sld [smem:$0x3F98];
	s0 =	simm.s32 @p0 $0x1  }
0x13: {  	[smem:$0x3FB3] =	sst s0;
	s0 =	simm.s32 @!p1 $0x0  }
0x14: {  	s2 =	sld [smem:$0x3F97];
	s0 =	simm.s32 @p1 $0x1  }
0x15: {  	[smem:$0x3FB4] =	sst s0;
	s0 =	simm.s32 @!p2 $0x0  }
0x16: {  	s3 =	sld [smem:$0x3FDB];
	s0 =	simm.s32 @p2 $0x1  }
0x17: {  	s4 =	simm.s32 $0x1BF5;
	[smem:$0x3FB6] =	sst s0  }
0x18: {  	s0 =	sld [smem:$0x3F99];
	_ =	swait.ge [sflag:s4], $0x0  }
0x19: {  	s7 =	sld [smem:$0x3F9A]  }
0x1a: {  	s8 =	sadd.s32 $0xFFFFE003, lr  }
0x1b: {  	s9 =	sadd.s32 $0xFFFFFEF7, lr;
	s5 =	simm.s32 $0xFFFFFFFF;
	p2 =	slt.u32 s8, $0xFFFFF086  }
0x1c: {  	p1 =	slt.u32 s9, $0xF7A;
	s5 =	simm.s32 @!p2 $0x0  }
0x1d: {  	s5 =	simm.s32 @p1 $0x1;
	p0 =	seq.s32 s7, s2  }
0x1e: {  	s7 =	smul.u32 @!p0 $0xF7A, s2;
	p2 =	seq.s32 @!p0 s5, $0x0  }
0x1f: {  	s9 =	smul.u32 $0xF7A, s1;
	s8 =	simm.s32 @!p0 $0x1BF5;
	p2 =	por !p2, p0  }
0x20: {  	[sflag:s8] =	ssyncset.s32 @!p0 $0xFFFFF086;
	s6 =	sadd.s32 @!p0 s3, s7;
	s7 =	simm.s32 @!p0 $0x108  }
0x21: {  	s3 =	sadd.s32 s3, s9;
	s6 =	sadd.s32 @!p0 $0x88, s6;
	s7 =	simm.s32 @p2 $0x1082  }
0x22: {  	[simem:s7], [sflag:s8] =	dma.local @!p0 [hbm:s6], $0xF7A  }
0x23: {  	s9 =	sor.u32 $0xD0000000, s2;
	s6 =	simm.s32 $0x108;
	_ =	swait.ge @!p0 [sflag:s8], $0x0  }
0x24: {  	s3 =	sadd.s32 $0x88, s3;
	s6 =	simm.s32 @!p1 $0x1082;
	[sflag:s4] =	ssyncset.s32 $0xFFFFF086  }
0x25: {  	[simem:s6], [sflag:s4] =	dma.local [hbm:s3], $0xF7A  }
0x26: {  	[smem:$0x3F9A] =	sst s1;
	(tag) =	ssettag s2;
	_ =	strace s9  }
0x27: {  	s1 =	sld [smem:$0x3FAA]  }
0x28: {  	s2 =	sld [smem:$0x3FAB]  }
0x29: {  	s4 =	sld [smem:$0x3FAD]  }
0x2a: {  	p0 =	seq.s32 s5, $0x0;
	s5 =	sld [smem:$0x3FAE]  }
0x2b: {  	s6 =	sld [smem:$0x3FAF]  }
0x2c: {  	s7 =	sld [smem:$0x3FB0]  }
0x2d: {  	s3 =	simm.s32 $0x108;
	s8 =	sld [smem:$0x3FB1]  }
0x2e: {  	s3 =	simm.s32 @!p0 $0x1082;
	s9 =	sld [smem:$0x3FB2]  }
0x2f: {  	lr =	sadd.s32 s0, s3;
	s0 =	sld [smem:$0x3FA9]  }
0x30: {  	s3 =	sld [smem:$0x3FAC]  }
0x31: {  	[smem:$0x3FB5] =	sst s10  }
0x32: {  	s10 =	sld [smem:$0x3FB3];
	_ =	sdelay $0x3  }
0x33: {  	p0 =	seq.s32 s10, $0x1;
	s10 =	sld [smem:$0x3FB5];
	_ =	sdelay $0x3  }
0x34: {  	[smem:$0x3FB5] =	sst s10  }
0x35: {  	s10 =	sld [smem:$0x3FB4];
	_ =	sdelay $0x3  }
0x36: {  	p1 =	seq.s32 s10, $0x1;
	s10 =	sld [smem:$0x3FB5];
	_ =	sdelay $0x3  }
0x37: {  	[smem:$0x3FB5] =	sst s10  }
0x38: {  	s10 =	sld [smem:$0x3FB6]  }
0x39: {  	_ = 	snop;
	(pc) =	sbr.ind lr, $3  }
0x3a: {  	_ = 	snop  }
0x3b: {  	_ = 	snop  }
0x3c: {  	p2 =	seq.s32 s10, $0x1;
	s10 =	sld [smem:$0x3FB5]  }
0x3d: {  	_ =	shalt  }
0x3e: {  	_ =	shalt  }
0x3f: {  	_ =	shalt  }
0x40: {  	_ =	shalt  }
0x41: {  	_ =	shalt  }
0x42: {  	_ =	shalt  }
0x43: {  	_ =	shalt  }
0x44: {  	_ =	shalt  }
0x45: {  	_ =	shalt  }
0x46: {  	_ =	shalt  }
0x47: {  	_ =	shalt  }
0x48: {  	_ =	shalt  }
0x49: {  	_ =	shalt  }
0x4a: {  	_ =	shalt  }
0x4b: {  	_ =	shalt  }
0x4c: {  	_ =	shalt  }
0x4d: {  	_ =	shalt  }
0x4e: {  	_ =	shalt  }
0x4f: {  	_ =	shalt  }
0x50: {  	_ =	shalt  }
0x51: {  	_ =	shalt  }
0x52: {  	_ =	shalt  }
0x53: {  	_ =	shalt  }
0x54: {  	_ =	shalt  }
0x55: {  	_ =	shalt  }
0x56: {  	_ =	shalt  }
0x57: {  	_ =	shalt  }
0x58: {  	_ =	shalt  }
0x59: {  	_ =	shalt  }
0x5a: {  	_ =	shalt  }
0x5b: {  	_ =	shalt  }
0x5c: {  	_ =	shalt  }
0x5d: {  	_ =	shalt  }
0x5e: {  	_ =	shalt  }
0x5f: {  	_ =	shalt  }
0x60: {  	_ =	shalt  }
0x61: {  	_ =	shalt  }
0x62: {  	_ =	shalt  }
0x63: {  	_ =	shalt  }
0x64: {  	_ =	shalt  }
0x65: {  	_ =	shalt  }
0x66: {  	_ =	shalt  }
0x67: {  	_ =	shalt  }
0x68: {  	_ =	shalt  }
0x69: {  	_ =	shalt  }
0x6a: {  	_ =	shalt  }
0x6b: {  	_ =	shalt  }
0x6c: {  	_ =	shalt  }
0x6d: {  	_ =	shalt  }
0x6e: {  	_ =	shalt  }
0x6f: {  	_ =	shalt  }
0x70: {  	_ =	shalt  }
0x71: {  	_ =	shalt  }
0x72: {  	_ =	shalt  }
0x73: {  	_ =	shalt  }
0x74: {  	_ =	shalt  }
0x75: {  	_ =	shalt  }
0x76: {  	_ =	shalt  }
0x77: {  	_ =	shalt  }
0x78: {  	_ =	shalt  }
0x79: {  	_ =	shalt  }
0x7a: {  	_ =	shalt  }
0x7b: {  	_ =	shalt  }
0x7c: {  	_ =	shalt  }
0x7d: {  	_ =	shalt  }
0x7e: {  	_ =	shalt  }
0x7f: {  	_ =	shalt  }
0x80: {  	_ =	shalt  }
0x81: {  	_ =	shalt  }
0x82: {  	_ =	shalt  }
0x83: {  	_ =	shalt  }
0x84: {  	_ =	shalt  }
0x85: {  	_ =	shalt  }
0x86: {  	_ =	shalt  }
0x87: {  	_ =	shalt  }
.Lfunc_end0:
.L_simem_size_0:
called_computation_lowered:
.L_overlay_start_0:
0x88: {  	s2 =	sld [smem:$0x3FD9]  }
0x89: {  	s3 =	sld [smem:$0x3FFE];
	_ =	sdelay $0x1  }
0x8a: {  	s1 =	srdreg.scid  }
0x8b: {  	s0 =	sand.u32 $0x1, s1  }
0x8c: {  	s17 =	sshll.u32 s0, $0xA;
	s2 =	sadd.s32 s3, s2  }
0x8d: {  	s2 =	sadd.s32 s2, s17  }
0x8e: {  	[smem:$0x3FC1] =	sst s2  }
0x8f: {  	_ = 	snop  }
0x90: {  	s2 =	sld [smem:$0x3FC9]  }
0x91: {  	s18 =	sld [smem:$0x3FD0];
	(tm) =	ssettm $0x1  }
0x92: {  	s4 =	sld [smem:$0x3FFB];
	_ =	sdelay $0x3  }
0x93: {  	_ =	strace s4  }
0x94: {  	s4 =	sld [smem:$0x3FFC];
	_ =	sdelay $0x3  }
0x95: {  	_ =	strace s4  }
0x96: {  	s4 =	sld [smem:$0x3FFD];
	_ =	sdelay $0x3  }
0x97: {  	_ =	strace s4  }
0x98: {  	_ =	strace $0x8FFFFFFF  }
0x99: {  	s19 =	sld [smem:$0x3FDB];
	_ =	sdelay $0x1  }
0x9a: {  	s5 =	simm.s32 $_scs_section_size  }
0x9b: {  	s6 =	simm.s32 $_size__tile_overlayer_lowered;
	s7 =	simm.s32 $_tile_overlayer_lowered  }
0x9c: {  	s22 =	simm.s32 $0x1BFF;
	s21 =	sshll.u32 s7, $0x1;
	s4 =	sadd.s32 s5, s19  }
0x9d: {  	s8 =	simm.s32 $0x0;
	s20 =	sshll.u32 s6, $0x1;
	s6 =	sadd.s32 s21, s4  }
0x9e: {  	[timem:s8], [sflag:s22] =	dma.local [hbm:s6], s20  }
0x9f: {  	_ =	swait.ge [sflag:s22], s20  }
0xa0: {  	s5 =	ssub.s32 $0x0, s20;
	[sflag:s22] =	ssyncset.done $0x0  }
0xa1: {  	[sflag:s22] =	ssyncadd.s32 s5;
	_ =	sdelay $0x1  }
0xa2: {  	s23 =	simm.s32 $0x1B8B  }
0xa3: {  	_ =	swait.ge [sflag:s23], $0x1  }
0xa4: {  	[sflag:s23] =	ssyncset.done $0x0  }
0xa5: {  	s25 =	simm.s32 $0x1B8E;
	s24 =	sld [smem:$0x3FFE];
	[sflag:s23] =	ssyncadd.s32 $0xFFFFFFFF  }
0xa6: {  	s26 =	simm.s32 $execute0_lowered;
	[smem:$0x3FD2] =	sst s25  }
0xa7: {  	s6 =	sshll.u32 s26, $0x1;
	_ =	strace $0x80000046;
	[dreg:$0x1] =	wrdreg $0xFFFFFFFF  }
0xa8: {  	s28 =	simm.s32 $_size_execute0_lowered;
	s4 =	sadd.s32 s4, s6;
	[dreg:$0x0] =	wrdreg $0x0  }
0xa9: {  	s6 =	sshll.u32 s28, $0x1;
	[dreg:$0x2] =	wrdreg s4  }
0xaa: {  	[dreg:$0x3] =	wrdreg s6  }
0xab: {  	[dreg:$0x4] =	wrdreg $0xC0  }
0xac: {  	_ =	task [dreg:s8], $0x5FFFF  }
0xad: {  	[dreg:$0x1] =	wrdreg $0xFFFFFFFF  }
0xae: {  	[dreg:$0x0] =	wrdreg $0x60  }
0xaf: {  	[dreg:$0x2] =	wrdreg s2  }
0xb0: {  	[dreg:$0x3] =	wrdreg s24  }
0xb1: {  	[dreg:$0x4] =	wrdreg s18  }
0xb2: {  	[dreg:$0x5] =	wrdreg $0x9  }
0xb3: {  	_ =	task.clear_ibuf [dreg:s8], $0x6FFFF;
	_ =	strace $0x90000046  }
0xb4: {  	s29 =	simm.s32 $0x9;
	_ =	strace $0x80000048  }
0xb5: {  	_ =	swait.ge [sflag:s29], $0x1  }
0xb6: {  	[sflag:s29] =	ssyncadd.s32 $0xFFFFFFFF  }
0xb7: {  	_ =	strace $0x90000048  }
0xb8: {  	_ =	sfence  }
0xb9: {  	s30 =	sld [smem:$0x0];
	_ =	sdelay $0x2  }
0xba: {  	s31 =	sshll.u32 s1, $0xD;
	s1 =	sshrl.u32 s1, $0x2  }
0xbb: {  	s3 =	sand.u32 $0x4000, s31;
	s1 =	sadd.s32 s1, s30  }
0xbc: {  	s0 =	sor.u32 s3, s0;
	s1 =	sshll.u32 s1, $0x11  }
0xbd: {  	s0 =	sor.u32 s1, s0  }
0xbe: {  	s0 =	sadd.s32 $0x8F2B, s0  }
0xbf: {  	[sflag:s0] =	ssyncadd.remote.s32 $0x1  }
0xc0: {  	_ =	sfence.sel $0xFFFF  }
0xc1: {  	[dreg:$0x0] =	wrdreg $0xFFFFFFFF;
	(pc) =	sbr.abs _section_cstart, $3  }
0xc2: {  	[dreg:$0x1] =	wrdreg $0xFFFFFFFF  }
0xc3: {  	_ =	task.clear_ibuf [dreg:s8], $0x2FFFF;
	_ =	strace $0x9FFFFFFF  }
0xc4: {  	(tm) =	ssettm $0x7FFFFFFF  }
0xc5: {  	_ =	shalt  }
tec
execute0_lowered:
.L_overlay_start_1:
0x0: {  	(tag) =	ssettag $0x1  }
0x1: {  	s0 =	rddreg [dreg:$0x0]  }
0x2: {  	s1 =	rddreg [dreg:$0x1];
	s2 =	srdreg.scid  }
0x3: {  	s3 =	stileid.u32;
	s12 =	rddreg [dreg:$0x2];
	s14 =	simm.s32 $0x2  }
0x4: {  	s15 =	simm.s32 $0x80;
	s20 =	simm.s32 $0x100;
	s23 =	simm.s32 $0x180  }
0x5: {  	s30 =	simm.s32 $0x14200;
	s31 =	simm.s32 $0x18200;
	s16 =	simm.s32 $0x18220  }
0x6: {  	s17 =	simm.s32 $0x1A220;
	s18 =	simm.s32 $0x0;
	s6 =	sand.u32 $0x1, s2  }
0x7: {  	s3 =	sshll.u32 s3, $0x1;
	s2 =	simm.s32 $0x0;
	s4 =	sadd.s32 $0x20E00, s1  }
0x8: {  	s5 =	sadd.s32 $0x1313A00, s1;
	s7 =	sor.u32 s6, s3;
	[smem:$0x7FF] =	sst s2  }
0x9: {  	s8 =	ssub.s32 $0x2, s6;
	s6 =	sadd.s32 $0xF43000, s1;
	s3 =	sshll.u32 s7, $0xB  }
0xa: {  	_ =	strace $0x80000047;
	s29 =	sshrl.u32 s8, $0x1;
	s13 =	sshll.u32 s7, $0x6  }
0xb: {  	s11 =	sadd.s32 s3, s1;
	s3 =	sadd.s32 $0x20C00, s1;
	s1 =	ssub.s32 s8, s29  }
0xc: {  	s7 =	sadd.s32 s0, s13;
	s12 =	sadd.s32 s12, s13;
	s0 =	simm.s32 $0x1  }
0xd: {  	v0 =	vlaneseq.u32;
	s8 =	sadd.s32 $0x31000, s11;
	s9 =	sadd.s32 $0x21000, s11;
	s10 =	sadd.s32 $0x10C00, s11  }
0xe: {  	v0 =	vmul.u32 $0x200, v0;
	s11 =	sadd.s32 $0xC00, s11;
	s13 =	smax.u32 s1, $0x1;
	s1 =	simm.s32 $0x18210  }
.LBB2_1:
0xf: {  	[tilespmem:s2], [sflag:$0x2] =	stream.linear.gather [hbm4b:s7+s2], $0x200, $0x38;
	[tilespmem:$0x1A420] =	vst v63  }
0x10: {  	_ =	swait.ge [sflag:s14], $0x200  }
0x11: {  	[sflag:s14] =	ssyncset.done $0x0  }
0x12: {  	s19 =	simm.s32 $0x200;
	[sflag:s14] =	ssyncadd.s32 $0xFFFFFE00  }
0x13: {  	[tilespmem:s19], [sflag:$0x1] =	stream.indirect.gather [hbm4b:s5+s15], $0x20, s2, s15, $0xb8;
	[tilespmem:$0x1A420] =	vst v63  }
0x14: {  	s26 =	simm.s32 $0x4200  }
0x15: {  	[tilespmem:s26], [sflag:$0x1] =	stream.indirect.gather [hbm4b:s6+s15], $0x20, s2, s15, $0xb8;
	[tilespmem:$0x1A420] =	vst v63  }
0x16: {  	s21 =	simm.s32 $0x1200  }
0x17: {  	[tilespmem:s21], [sflag:$0x1] =	stream.indirect.gather [hbm4b:s5+s15], $0x20, s15, s15, $0xb8;
	[tilespmem:$0x1A420] =	vst v63  }
0x18: {  	s22 =	simm.s32 $0x5200  }
0x19: {  	[tilespmem:s22], [sflag:$0x1] =	stream.indirect.gather [hbm4b:s6+s15], $0x20, s15, s15, $0xb8;
	[tilespmem:$0x1A420] =	vst v63  }
0x1a: {  	s24 =	simm.s32 $0x2200  }
0x1b: {  	[tilespmem:s24], [sflag:$0x1] =	stream.indirect.gather [hbm4b:s5+s15], $0x20, s20, s15, $0xb8;
	[tilespmem:$0x1A420] =	vst v63  }
0x1c: {  	s25 =	simm.s32 $0x6200  }
0x1d: {  	[tilespmem:s25], [sflag:$0x1] =	stream.indirect.gather [hbm4b:s6+s15], $0x20, s20, s15, $0xb8;
	[tilespmem:$0x1A420] =	vst v63  }
0x1e: {  	s26 =	simm.s32 $0x3200  }
0x1f: {  	[tilespmem:s26], [sflag:$0x1] =	stream.indirect.gather [hbm4b:s5+s15], $0x20, s23, s15, $0xb8;
	[tilespmem:$0x1A420] =	vst v63  }
0x20: {  	s21 =	simm.s32 $0x7200  }
0x21: {  	[tilespmem:s21], [sflag:$0x1] =	stream.indirect.gather [hbm4b:s6+s15], $0x20, s23, s15, $0xb8;
	[tilespmem:$0x1A420] =	vst v63  }
0x22: {  	s22 =	simm.s32 $0x8200  }
0x23: {  	[tilespmem:s22], [sflag:$0x2] =	stream.linear.gather [hbm4b:s8+s2], $0x4000, $0x38;
	[tilespmem:$0x1A420] =	vst v63  }
0x24: {  	_ =	swait.ge [sflag:s14], $0x4000  }
0x25: {  	[sflag:s14] =	ssyncset.done $0x0  }
0x26: {  	s24 =	simm.s32 $0xC200;
	[sflag:s14] =	ssyncadd.s32 $0xFFFFC000  }
0x27: {  	[tilespmem:s24], [sflag:$0x2] =	stream.linear.gather [hbm4b:s9+s2], $0x4000, $0x38;
	[tilespmem:$0x1A420] =	vst v63  }
0x28: {  	_ =	swait.ge [sflag:s14], $0x4000  }
0x29: {  	[sflag:s14] =	ssyncset.done $0x0  }
0x2a: {  	s25 =	simm.s32 $0x10200;
	[sflag:s14] =	ssyncadd.s32 $0xFFFFC000  }
0x2b: {  	[tilespmem:s25], [sflag:$0x2] =	stream.linear.gather [hbm4b:s10+s2], $0x4000, $0x38;
	[tilespmem:$0x1A420] =	vst v63  }
0x2c: {  	_ =	swait.ge [sflag:s14], $0x4000  }
0x2d: {  	[sflag:s14] =	ssyncset.done $0x0  }
0x2e: {  	[sflag:s14] =	ssyncadd.s32 $0xFFFFC000  }
0x2f: {  	[tilespmem:s30], [sflag:$0x2] =	stream.linear.gather [hbm4b:s11+s2], $0x4000, $0x38;
	[tilespmem:$0x1A420] =	vst v63  }
0x30: {  	_ =	swait.ge [sflag:s14], $0x4000  }
0x31: {  	[sflag:s14] =	ssyncset.done $0x0  }
0x32: {  	[sflag:s14] =	ssyncadd.s32 $0xFFFFC000  }
0x33: {  	[tilespmem:s31], [sflag:$0x2] =	stream.linear.gather [hbm4b:s3+s2], $0x10, $0x38;
	[tilespmem:$0x1A420] =	vst v63  }
0x34: {  	_ =	swait.ge [sflag:s14], $0x10  }
0x35: {  	[sflag:s14] =	ssyncset.done $0x0  }
0x36: {  	[sflag:s14] =	ssyncadd.s32 $0xFFFFFFF0  }
0x37: {  	[tilespmem:s1], [sflag:$0x2] =	stream.linear.gather [hbm4b:s4+s2], $0x10, $0x38;
	[tilespmem:$0x1A420] =	vst v63  }
0x38: {  	_ =	swait.ge [sflag:s14], $0x10  }
0x39: {  	[sflag:s14] =	ssyncset.done $0x0  }
0x3a: {  	[sflag:s14] =	ssyncadd.s32 $0xFFFFFFF0  }
0x3b: {  	_ =	swait.ge [sflag:s0], $0x1000  }
0x3c: {  	[sflag:s0] =	ssyncset.done $0x0  }
0x3d: {  	[sflag:s0] =	ssyncadd.s32 $0xFFFFF000  }
0x3e: {  	_ =	swait.ge [sflag:s0], $0x1000  }
0x3f: {  	[sflag:s0] =	ssyncset.done $0x0  }
0x40: {  	[sflag:s0] =	ssyncadd.s32 $0xFFFFF000  }
0x41: {  	_ =	swait.ge [sflag:s0], $0x1000  }
0x42: {  	[sflag:s0] =	ssyncset.done $0x0  }
0x43: {  	[sflag:s0] =	ssyncadd.s32 $0xFFFFF000  }
0x44: {  	_ =	swait.ge [sflag:s0], $0x1000  }
0x45: {  	[sflag:s0] =	ssyncset.done $0x0  }
0x46: {  	[sflag:s0] =	ssyncadd.s32 $0xFFFFF000  }
0x47: {  	_ =	swait.ge [sflag:s0], $0x1000  }
0x48: {  	[sflag:s0] =	ssyncset.done $0x0  }
0x49: {  	[sflag:s0] =	ssyncadd.s32 $0xFFFFF000  }
0x4a: {  	_ =	swait.ge [sflag:s0], $0x1000  }
0x4b: {  	[sflag:s0] =	ssyncset.done $0x0  }
0x4c: {  	[sflag:s0] =	ssyncadd.s32 $0xFFFFF000  }
0x4d: {  	_ =	swait.ge [sflag:s0], $0x1000  }
0x4e: {  	[sflag:s0] =	ssyncset.done $0x0  }
0x4f: {  	[sflag:s0] =	ssyncadd.s32 $0xFFFFF000  }
0x50: {  	_ =	swait.ge [sflag:s0], $0x1000  }
0x51: {  	[sflag:s0] =	ssyncset.done $0x0  }
0x52: {  	s26 =	simm.s32 $0x4210;
	[sflag:s0] =	ssyncadd.s32 $0xFFFFF000  }
0x53: {  	v1 =	vld [tilespmem:s26+$0xFFFFFFF0]  }
0x54: {  	s21 =	simm.s32 $0x14210;
	v2 =	vld [tilespmem:s26+$0x0]  }
0x55: {  	v3 =	vld [tilespmem:s21+$0xFFFFFFF0]  }
0x56: {  	v4 =	vld [tilespmem:s21+$0x0];
	_ =	sdelay $0x1  }
0x57: {  	v1 =	vmul.f32 $5.000000000e-01, v1  }
0x58: {  	v2 =	vmul.f32 $5.000000000e-01, v2  }
0x59: {  	v3 =	vmul.f32 $5.000000000e-01, v3;
	v1 =	vmul.f32 $1.442695020e+00, v1  }
0x5a: {  	v4 =	vmul.f32 $5.000000000e-01, v4;
	v2 =	vmul.f32 $1.442695020e+00, v2  }
0x5b: {  	s22 =	simm.s32 $0x8210;
	v3 =	vmul.f32 $1.442695020e+00, v3;
	(erf) = vpow2.f32 v1  }
0x5c: {  	s21 =	simm.s32 $0x10210;
	v6 =	vld [tilespmem:s22+$0x0];
	v4 =	vmul.f32 $1.442695020e+00, v4;
	(erf) = vpow2.f32 v2  }
0x5d: {  	v5 =	vld [tilespmem:s21+$0x0];
	(erf) = vpow2.f32 v3  }
0x5e: {  	s19 =	simm.s32 $0x210;
	v1 =	vld [tilespmem:s21+$0xFFFFFFF0];
	(erf) = vpow2.f32 v4  }
0x5f: {  	v2 =	vld [tilespmem:s19+$0xFFFFFFF0]  }
0x60: {  	v3 =	vld [tilespmem:s22+$0xFFFFFFF0]  }
0x61: {  	s24 =	simm.s32 $0xC210;
	v4 =	vld [tilespmem:s19+$0x0]  }
0x62: {  	v7 =	vld [tilespmem:s24+$0xFFFFFFF0]  }
0x63: {  	v8 =	vld [tilespmem:s24+$0x0]  }
0x64: {  	v9 =	vpop (erf)  }
0x65: {  	v1 =	vsub.f32 v2, v1;
	v2 =	vpop (erf)  }
0x66: {  	v4 =	vsub.f32 v4, v5;
	v3 =	vmul.f32 v9, v3;
	v2 =	vmul.f32 v6, v2;
	v5 =	vpop (erf)  }
0x67: {  	v5 =	vmul.f32 v5, v7;
	v6 =	vpop (erf)  }
0x68: {  	v1 =	vadd.f32 v3, v1;
	v2 =	vadd.f32 v2, v4;
	v3 =	vmul.f32 v6, v8;
	_ =	sdelay $0x1  }
0x69: {  	v1 =	vsub.f32 v1, v5;
	v2 =	vsub.f32 v2, v3  }
0x6a: {  	v3 =	vor.u32 s2, v0  }
0x6b: {  	v1 =	vmul.f32 v1, v1;
	v4 =	vmul.f32 v2, v2;
	_ =	sdelay $0x1  }
0x6c: {  	v4 =	vadd.f32 v4, v1  }
0x6d: {  	v1 =	vld [tilespmem:$0x18210]  }
0x6e: {  	s26 =	simm.s32 $0x4230;
	v2 =	vld [tilespmem:$0x18200];
	[tilespmem:v3+s16+$0x0] =	vst.idx.msk $0xffff, v4  }
0x6f: {  	v3 =	vld [tilespmem:s26+$0xFFFFFFF0]  }
0x70: {  	s29 =	simm.s32 $0x2;
	s28 =	simm.s32 $0x14230;
	s25 =	simm.s32 $0x1;
	v4 =	vld [tilespmem:s26+$0x0]  }
.LBB2_2:
0x71: {  	p0 =	sne.s32 s29, $0x1FF;
	v5 =	vld [tilespmem:s28+$0xFFFFFFF0]  }
0x72: {  	v6 =	vld [tilespmem:s28+$0x0];
	_ =	sdelay $0x1  }
0x73: {  	v3 =	vmul.f32 $5.000000000e-01, v3  }
0x74: {  	v4 =	vmul.f32 $5.000000000e-01, v4  }
0x75: {  	v3 =	vmul.f32 $1.442695020e+00, v3;
	v5 =	vmul.f32 $5.000000000e-01, v5  }
0x76: {  	v4 =	vmul.f32 $1.442695020e+00, v4;
	v6 =	vmul.f32 $5.000000000e-01, v6  }
0x77: {  	s21 =	sadd.s32 $0x20, s21;
	v5 =	vmul.f32 $1.442695020e+00, v5;
	(erf) = vpow2.f32 v3  }
0x78: {  	s19 =	sadd.s32 $0x20, s19;
	v3 =	vld [tilespmem:s21+$0xFFFFFFF0];
	v6 =	vmul.f32 $1.442695020e+00, v6;
	(erf) = vpow2.f32 v4  }
0x79: {  	s22 =	sadd.s32 $0x20, s22;
	v4 =	vld [tilespmem:s19+$0xFFFFFFF0];
	(erf) = vpow2.f32 v5  }
0x7a: {  	v5 =	vld [tilespmem:s22+$0xFFFFFFF0];
	(erf) = vpow2.f32 v6  }
0x7b: {  	v6 =	vld [tilespmem:s19+$0x0]  }
0x7c: {  	v7 =	vld [tilespmem:s21+$0x0]  }
0x7d: {  	s24 =	sadd.s32 $0x20, s24;
	v8 =	vld [tilespmem:s22+$0x0]  }
0x7e: {  	v9 =	vld [tilespmem:s24+$0xFFFFFFF0]  }
0x7f: {  	v10 =	vld [tilespmem:s24+$0x0]  }
0x80: {  	v11 =	vpop (erf)  }
0x81: {  	v3 =	vsub.f32 v4, v3;
	v4 =	vpop (erf)  }
0x82: {  	v5 =	vmul.f32 v11, v5;
	v6 =	vsub.f32 v6, v7;
	v4 =	vmul.f32 v8, v4;
	v7 =	vpop (erf)  }
0x83: {  	v7 =	vmul.f32 v7, v9;
	v8 =	vpop (erf)  }
0x84: {  	v3 =	vadd.f32 v5, v3;
	v4 =	vadd.f32 v4, v6;
	v5 =	vmul.f32 v8, v10;
	_ =	sdelay $0x1  }
0x85: {  	v3 =	vsub.f32 v3, v7;
	v4 =	vsub.f32 v4, v5  }
0x86: {  	v5 =	vor.u32 s25, v0;
	s25 =	smov.u32 s29  }
0x87: {  	v3 =	vmul.f32 v3, v3;
	v4 =	vmul.f32 v4, v4;
	_ =	sdelay $0x1  }
.Ltmp0:
0x88: {  	v3 =	vadd.f32 v4, v3;
	(pc) =	sbr.rel @p0 .LBB2_2-.Ltmp0, $4  }
0x89: {  	_ = 	snop  }
0x8a: {  	s26 =	sadd.s32 $0x20, s26;
	[tilespmem:v5+s16+$0x0] =	vst.idx.msk $0xffff, v3  }
0x8b: {  	v3 =	vld [tilespmem:s26+$0xFFFFFFF0]  }
0x8c: {  	s28 =	sadd.s32 $0x20, s28;
	s29 =	sadd.s32 $0x1, s29;
	v4 =	vld [tilespmem:s26+$0x0]  }
0x8d: {  	v5 =	vld [tilespmem:s28+$0xFFFFFFF0]  }
0x8e: {  	v6 =	vld [tilespmem:s28+$0x0];
	_ =	sdelay $0x1  }
0x8f: {  	v3 =	vmul.f32 $5.000000000e-01, v3  }
0x90: {  	v4 =	vmul.f32 $5.000000000e-01, v4  }
0x91: {  	v3 =	vmul.f32 $1.442695020e+00, v3;
	v5 =	vmul.f32 $5.000000000e-01, v5  }
0x92: {  	v6 =	vmul.f32 $5.000000000e-01, v6;
	v4 =	vmul.f32 $1.442695020e+00, v4  }
0x93: {  	s21 =	sadd.s32 $0x20, s21;
	v5 =	vmul.f32 $1.442695020e+00, v5;
	(erf) = vpow2.f32 v3  }
0x94: {  	s22 =	sadd.s32 $0x20, s22;
	v7 =	vld [tilespmem:s21+$0x0];
	v6 =	vmul.f32 $1.442695020e+00, v6;
	(erf) = vpow2.f32 v4  }
0x95: {  	v8 =	vld [tilespmem:s22+$0x0];
	(erf) = vpow2.f32 v5  }
0x96: {  	s19 =	sadd.s32 $0x20, s19;
	v3 =	vld [tilespmem:s21+$0xFFFFFFF0];
	(erf) = vpow2.f32 v6  }
0x97: {  	v4 =	vld [tilespmem:s19+$0xFFFFFFF0]  }
0x98: {  	v5 =	vld [tilespmem:s22+$0xFFFFFFF0]  }
0x99: {  	s29 =	sadd.s32 $0x20, s24;
	v6 =	vld [tilespmem:s19+$0x0]  }
0x9a: {  	v9 =	vld [tilespmem:s29+$0xFFFFFFF0]  }
0x9b: {  	v10 =	vld [tilespmem:s29+$0x0]  }
0x9c: {  	v11 =	vpop (erf)  }
0x9d: {  	v3 =	vsub.f32 v4, v3;
	v4 =	vpop (erf)  }
0x9e: {  	v6 =	vsub.f32 v6, v7;
	v5 =	vmul.f32 v11, v5;
	v4 =	vmul.f32 v8, v4;
	v7 =	vpop (erf)  }
0x9f: {  	v7 =	vmul.f32 v7, v9;
	v8 =	vpop (erf)  }
0xa0: {  	v3 =	vadd.f32 v5, v3;
	v4 =	vadd.f32 v4, v6;
	v5 =	vmul.f32 v8, v10;
	_ =	sdelay $0x1  }
0xa1: {  	v3 =	vsub.f32 v3, v7;
	v4 =	vsub.f32 v4, v5  }
0xa2: {  	v5 =	vor.u32 s25, v0  }
0xa3: {  	v3 =	vmul.f32 v3, v3;
	v4 =	vmul.f32 v4, v4;
	_ =	sdelay $0x1  }
0xa4: {  	v3 =	vadd.f32 v4, v3;
	_ =	sdelay $0x1  }
0xa5: {  	s24 =	simm.s32 $0x0;
	[tilespmem:v5+s16+$0x0] =	vst.idx.msk $0xffff, v3  }
0xa6: {  	v3 =	vld [tilespmem:s24+$0x18220]  }
0xa7: {  	v4 =	vld [tilespmem:s24+$0x18420]  }
0xa8: {  	v5 =	vld [tilespmem:s24+$0x18620]  }
0xa9: {  	v6 =	vld [tilespmem:s24+$0x18820]  }
0xaa: {  	v7 =	vld [tilespmem:s24+$0x18A20]  }
0xab: {  	v8 =	vld [tilespmem:s24+$0x18C20]  }
0xac: {  	s19 =	simm.s32 $0x10;
	v9 =	vld [tilespmem:s24+$0x18E20];
	v3 =	vadd.f32 v4, v3  }
0xad: {  	v10 =	vld [tilespmem:s19+$0x18220]  }
0xae: {  	v11 =	vld [tilespmem:s24+$0x19220];
	v3 =	vadd.f32 v5, v3  }
0xaf: {  	v12 =	vld [tilespmem:s24+$0x19420]  }
0xb0: {  	v13 =	vld [tilespmem:s19+$0x18620];
	v3 =	vadd.f32 v6, v3  }
0xb1: {  	v14 =	vld [tilespmem:s19+$0x18820]  }
0xb2: {  	v5 =	vld [tilespmem:s19+$0x18420];
	v3 =	vadd.f32 v7, v3  }
0xb3: {  	v4 =	vld [tilespmem:s24+$0x19020]  }
0xb4: {  	v15 =	vld [tilespmem:s19+$0x18A20];
	v3 =	vadd.f32 v8, v3  }
0xb5: {  	v6 =	vld [tilespmem:s24+$0x1A020]  }
0xb6: {  	v7 =	vld [tilespmem:s24+$0x19E20];
	v3 =	vadd.f32 v9, v3  }
0xb7: {  	v5 =	vadd.f32 v5, v10;
	v10 =	vld [tilespmem:s19+$0x18C20]  }
0xb8: {  	v8 =	vld [tilespmem:s24+$0x19620];
	v3 =	vadd.f32 v4, v3  }
0xb9: {  	v5 =	vadd.f32 v13, v5;
	v13 =	vld [tilespmem:s19+$0x18E20]  }
0xba: {  	s21 =	simm.s32 $0x20;
	v9 =	vld [tilespmem:s24+$0x19820];
	v3 =	vadd.f32 v11, v3  }
0xbb: {  	v5 =	vadd.f32 v14, v5;
	v14 =	vld [tilespmem:s21+$0x18220]  }
0xbc: {  	v4 =	vld [tilespmem:s24+$0x19A20];
	v3 =	vadd.f32 v12, v3  }
0xbd: {  	v5 =	vadd.f32 v15, v5;
	v15 =	vld [tilespmem:s19+$0x19220]  }
0xbe: {  	v11 =	vld [tilespmem:s24+$0x19C20];
	v3 =	vadd.f32 v8, v3  }
0xbf: {  	v5 =	vadd.f32 v10, v5;
	v12 =	vld [tilespmem:s19+$0x19020]  }
0xc0: {  	v10 =	vld [tilespmem:s19+$0x19420];
	v3 =	vadd.f32 v9, v3  }
0xc1: {  	v5 =	vadd.f32 v13, v5;
	v13 =	vld [tilespmem:s21+$0x18620]  }
0xc2: {  	v8 =	vld [tilespmem:s21+$0x18420];
	v3 =	vadd.f32 v4, v3  }
0xc3: {  	v9 =	vld [tilespmem:s19+$0x1A020]  }
0xc4: {  	v5 =	vadd.f32 v12, v5;
	v12 =	vld [tilespmem:s21+$0x18820];
	v3 =	vadd.f32 v11, v3  }
0xc5: {  	v11 =	vld [tilespmem:s19+$0x19620]  }
0xc6: {  	v4 =	vld [tilespmem:s19+$0x19E20];
	v5 =	vadd.f32 v15, v5;
	v3 =	vadd.f32 v7, v3  }
0xc7: {  	v8 =	vadd.f32 v8, v14;
	v7 =	vld [tilespmem:s19+$0x19820]  }
0xc8: {  	v15 =	vld [tilespmem:s21+$0x18A20];
	v5 =	vadd.f32 v10, v5;
	v6 =	vadd.f32 v6, v3  }
0xc9: {  	v8 =	vadd.f32 v13, v8;
	v3 =	vld [tilespmem:s19+$0x19A20]  }
0xca: {  	v10 =	vld [tilespmem:s21+$0x18C20];
	v5 =	vadd.f32 v11, v5;
	v14 =	vshra.s32 v6, $0x1;
	v16 =	vmul.f32 $5.000000000e-01, v6  }
0xcb: {  	v13 =	vld [tilespmem:s19+$0x19C20];
	v8 =	vadd.f32 v12, v8;
	v14 =	vsub.s32 $0x5F3759DF, v14  }
0xcc: {  	v11 =	vld [tilespmem:s21+$0x18E20];
	v5 =	vadd.f32 v7, v5;
	v17 =	vmul.f32 v14, v16  }
0xcd: {  	s22 =	simm.s32 $0x30;
	v12 =	vld [tilespmem:s21+$0x19020];
	v8 =	vadd.f32 v15, v8  }
0xce: {  	v15 =	vld [tilespmem:s22+$0x18420];
	v3 =	vadd.f32 v3, v5;
	v17 =	vmul.f32 v14, v17  }
0xcf: {  	v7 =	vld [tilespmem:s22+$0x18220];
	v8 =	vadd.f32 v10, v8  }
0xd0: {  	v5 =	vld [tilespmem:s21+$0x19220];
	v3 =	vadd.f32 v13, v3;
	v17 =	vsub.f32 $1.500000000e+00, v17  }
0xd1: {  	v8 =	vadd.f32 v11, v8;
	v13 =	vld [tilespmem:s21+$0x19420]  }
0xd2: {  	v3 =	vadd.f32 v4, v3;
	v4 =	vld [tilespmem:s22+$0x18620];
	v14 =	vmul.f32 v14, v17  }
0xd3: {  	v8 =	vadd.f32 v12, v8;
	v12 =	vld [tilespmem:s21+$0x19620]  }
0xd4: {  	v18 =	vadd.f32 v9, v3;
	v3 =	vld [tilespmem:s22+$0x18820];
	v17 =	vmul.f32 v14, v16  }
0xd5: {  	v19 =	vld [tilespmem:s22+$0x18A20];
	v7 =	vadd.f32 v15, v7;
	v5 =	vadd.f32 v5, v8  }
0xd6: {  	v8 =	vld [tilespmem:s21+$0x19820];
	v15 =	vshra.s32 v18, $0x1;
	v9 =	vmul.f32 v17, v14;
	v17 =	vmul.f32 $5.000000000e-01, v18  }
0xd7: {  	v20 =	vld [tilespmem:s22+$0x18C20];
	v5 =	vadd.f32 v13, v5;
	v13 =	vsub.s32 $0x5F3759DF, v15;
	v4 =	vadd.f32 v4, v7  }
0xd8: {  	v15 =	vld [tilespmem:s21+$0x19A20];
	v7 =	vmul.f32 v13, v17  }
0xd9: {  	v5 =	vadd.f32 v12, v5;
	v12 =	vld [tilespmem:s21+$0x19C20];
	v3 =	vadd.f32 v3, v4  }
0xda: {  	v9 =	vsub.f32 $1.500000000e+00, v9;
	v4 =	vmul.f32 v13, v7;
	v7 =	vld [tilespmem:s22+$0x18E20]  }
0xdb: {  	v2 =	vmul.f32 $1.442695020e+00, v2;
	v11 =	vld [tilespmem:s21+$0x19E20];
	v5 =	vadd.f32 v8, v5;
	v3 =	vadd.f32 v19, v3  }
0xdc: {  	v8 =	vld [tilespmem:s22+$0x19020];
	v9 =	vmul.f32 v9, v14;
	v4 =	vsub.f32 $1.500000000e+00, v4  }
0xdd: {  	(erf) = vpow2.f32 v2;
	v10 =	vld [tilespmem:s21+$0x1A020];
	v2 =	vadd.f32 v15, v5;
	v3 =	vadd.f32 v20, v3  }
0xde: {  	v14 =	vmul.f32 v9, v16;
	v13 =	vmul.f32 v13, v4;
	v4 =	vld [tilespmem:s22+$0x19220]  }
0xdf: {  	v2 =	vadd.f32 v12, v2;
	v3 =	vadd.f32 v7, v3  }
0xe0: {  	v14 =	vmul.f32 v14, v9  }
0xe1: {  	v2 =	vadd.f32 v11, v2;
	v8 =	vadd.f32 v8, v3  }
0xe2: {  	v12 =	vsub.f32 $1.500000000e+00, v14;
	v14 =	vld [tilespmem:s22+$0x19420]  }
0xe3: {  	v3 =	vadd.f32 v10, v2;
	v2 =	vadd.f32 v4, v8  }
0xe4: {  	s25 =	simm.s32 $0x40;
	v62 =	vld [tilespmem:s22+$0x1A020];
	v9 =	vmul.f32 v12, v9  }
0xe5: {  	v5 =	vld [tilespmem:s25+$0x18420]  }
0xe6: {  	v16 =	vld [tilespmem:s25+$0x18220];
	v7 =	vmul.f32 v13, v17;
	v6 =	vmul.f32 v9, v6  }
0xe7: {  	v63 =	vld [tilespmem:s25+$0x18C20];
	v14 =	vadd.f32 v14, v2;
	v2 =	vpop (erf)  }
0xe8: {  	v7 =	vmul.f32 v7, v13;
	v12 =	vld [tilespmem:s25+$0x18620];
	v6 =	vmul.f32 v6, v2  }
0xe9: {  	v10 =	vld [tilespmem:s22+$0x19620]  }
0xea: {  	v8 =	vld [tilespmem:s25+$0x18820];
	v7 =	vsub.f32 $1.500000000e+00, v7;
	v6 =	vsub.f32 v6, v1  }
0xeb: {  	v15 =	vld [tilespmem:s22+$0x19820];
	v5 =	vadd.f32 v5, v16;
	v4 =	vmul.f32 $5.000000000e-01, v3;
	v9 =	vshra.s32 v3, $0x1  }
0xec: {  	v16 =	vld [tilespmem:s25+$0x18A20];
	v9 =	vsub.s32 $0x5F3759DF, v9;
	v7 =	vmul.f32 v7, v13;
	v6 =	vadd.f32 $0.0e+00, v6  }
0xed: {  	v13 =	vmul.f32 v9, v4;
	v5 =	vadd.f32 v12, v5;
	v12 =	vld [tilespmem:s22+$0x19A20]  }
0xee: {  	v11 =	vld [tilespmem:s22+$0x19E20];
	v10 =	vadd.f32 v10, v14;
	v14 =	vmul.f32 v7, v17;
	v6 =	vmul.f32 $1.442695020e+00, v6  }
0xef: {  	v17 =	vld [tilespmem:s22+$0x19C20];
	v5 =	vadd.f32 v8, v5;
	v8 =	vmul.f32 v9, v13  }
0xf0: {  	v13 =	vld [tilespmem:s25+$0x18E20];
	v10 =	vadd.f32 v15, v10;
	v14 =	vmul.f32 v14, v7;
	(erf) = vpow2.f32 v6  }
0xf1: {  	s26 =	simm.s32 $0x50;
	v15 =	vld [tilespmem:s25+$0x19020];
	v5 =	vadd.f32 v16, v5;
	v8 =	vsub.f32 $1.500000000e+00, v8  }
0xf2: {  	v16 =	vld [tilespmem:s26+$0x18220];
	v10 =	vadd.f32 v12, v10;
	v12 =	vsub.f32 $1.500000000e+00, v14  }
0xf3: {  	v14 =	vld [tilespmem:s26+$0x18420];
	v5 =	vadd.f32 v63, v5;
	v8 =	vmul.f32 v9, v8  }
0xf4: {  	v9 =	vld [tilespmem:s25+$0x19220];
	v17 =	vadd.f32 v17, v10;
	v12 =	vmul.f32 v12, v7  }
0xf5: {  	v7 =	vld [tilespmem:s25+$0x1A020];
	v5 =	vadd.f32 v13, v5;
	v13 =	vmul.f32 v8, v4  }
0xf6: {  	v10 =	vld [tilespmem:s25+$0x19420];
	v17 =	vadd.f32 v11, v17;
	v18 =	vmul.f32 v12, v18  }
0xf7: {  	v6 =	vld [tilespmem:s25+$0x19E20];
	v15 =	vadd.f32 v15, v5;
	v13 =	vmul.f32 v13, v8  }
0xf8: {  	s28 =	simm.s32 $0x180;
	v12 =	vld [tilespmem:s26+$0x18620];
	v11 =	vadd.f32 v14, v16;
	v5 =	vadd.f32 v62, v17;
	v14 =	vmul.f32 v18, v2  }
.LBB2_4:
0xf9: {  	p0 =	sne.s32 s28, $0x7C0;
	v9 =	vadd.f32 v9, v15;
	v15 =	vld [tilespmem:s25+$0x19620];
	v13 =	vsub.f32 $1.500000000e+00, v13;
	v16 =	vpop (erf)  }
0xfa: {  	v17 =	vld [tilespmem:s26+$0x18820];
	v18 =	vshra.s32 v5, $0x1;
	v14 =	vsub.f32 v14, v1;
	v16 =	vadd.f32 $1.000000000e+00, v16;
	v19 =	vmovc v7  }
0xfb: {  	v7 =	vadd.f32 v10, v9;
	v9 =	vld [tilespmem:s25+$0x19820];
	v10 =	vsub.s32 $0x5F3759DF, v18;
	v18 =	vmul.f32 $5.000000000e-01, v5  }
0xfc: {  	v13 =	vmul.f32 v13, v8;
	v20 =	vld [tilespmem:s26+$0x18A20];
	v8 =	vadd.f32 $0.0e+00, v14;
	(erf) = vrcp.f32 v16  }
0xfd: {  	v11 =	vadd.f32 v12, v11;
	v12 =	vld [tilespmem:s25+$0x19A20];
	v14 =	vmul.f32 v10, v18  }
0xfe: {  	v16 =	vld [tilespmem:s26+$0x18C20];
	v7 =	vadd.f32 v15, v7;
	v15 =	vmul.f32 v13, v4;
	v8 =	vmul.f32 $1.442695020e+00, v8;
	v4 =	vmovc v18  }
0xff: {  	v11 =	vadd.f32 v17, v11;
	v17 =	vld [tilespmem:s25+$0x19C20];
	v14 =	vmul.f32 v10, v14  }
0x100: {  	v18 =	vld [tilespmem:s26+$0x18E20];
	v7 =	vadd.f32 v9, v7;
	v9 =	vmul.f32 v15, v13;
	(erf) = vpow2.f32 v8  }
0x101: {  	s29 =	sshra.s32 s28, $0x2;
	v8 =	vadd.f32 v20, v11;
	v11 =	vld [tilespmem:s26+$0x19020];
	v14 =	vsub.f32 $1.500000000e+00, v14  }
0x102: {  	v20 =	vld [tilespmem:s29+$0x18220];
	v7 =	vadd.f32 v12, v7;
	v12 =	vsub.f32 $1.500000000e+00, v9  }
0x103: {  	v21 =	vld [tilespmem:s29+$0x18420];
	v22 =	vadd.f32 v16, v8;
	v8 =	vmul.f32 v10, v14  }
.Ltmp1:
0x104: {  	v9 =	vld [tilespmem:s26+$0x19220];
	v14 =	vadd.f32 v17, v7;
	v12 =	vmul.f32 v12, v13;
	(pc) =	sbr.rel @p0 .LBB2_4-.Ltmp1, $4  }
0x105: {  	v13 =	vadd.f32 v18, v22;
	v7 =	vld [tilespmem:s26+$0x1A020];
	v16 =	vmul.f32 v8, v4;
	v15 =	vpop (erf)  }
0x106: {  	v10 =	vld [tilespmem:s26+$0x19420];
	v14 =	vadd.f32 v6, v14;
	v17 =	vmul.f32 v12, v3;
	[tilespmem:s24+$0x1A220] =	vst v15;
	v3 =	vmov v5;
	s24 =	smov.u32 s19;
	s19 =	smov.u32 s21;
	s21 =	smov.u32 s22  }
0x107: {  	s22 =	smov.u32 s25;
	s25 =	smov.u32 s26;
	v15 =	vadd.f32 v11, v13;
	v6 =	vld [tilespmem:s26+$0x19E20];
	v13 =	vmul.f32 v16, v8;
	s26 =	smov.u32 s29  }
0x108: {  	s28 =	sadd.s32 $0x40, s28;
	v11 =	vadd.f32 v21, v20;
	v12 =	vld [tilespmem:s26+$0x18620];
	v5 =	vadd.f32 v19, v14;
	v14 =	vmul.f32 v17, v2  }
0x109: {  	_ = 	snop  }
0x10a: {  	v16 =	vpop (erf);
	v17 =	vld [tilespmem:s26+$0x18820]  }
0x10b: {  	v18 =	vld [tilespmem:s25+$0x19620];
	v16 =	vadd.f32 $1.000000000e+00, v16  }
0x10c: {  	v26 =	vld [tilespmem:s26+$0x18A20]  }
0x10d: {  	v9 =	vadd.f32 v9, v15;
	v19 =	vld [tilespmem:s25+$0x19820];
	(erf) = vrcp.f32 v16;
	v11 =	vadd.f32 v12, v11  }
0x10e: {  	v27 =	vld [tilespmem:s26+$0x18C20];
	v13 =	vsub.f32 $1.500000000e+00, v13  }
0x10f: {  	v20 =	vld [tilespmem:s25+$0x19A20];
	v9 =	vadd.f32 v10, v9;
	v11 =	vadd.f32 v17, v11  }
0x110: {  	v30 =	vld [tilespmem:s26+$0x18E20];
	v28 =	vshra.s32 v5, $0x1;
	v29 =	vmul.f32 $5.000000000e-01, v5;
	v8 =	vmul.f32 v13, v8  }
0x111: {  	v32 =	vld [tilespmem:s25+$0x19C20];
	v12 =	vsub.s32 $0x5F3759DF, v28;
	v9 =	vadd.f32 v18, v9;
	v11 =	vadd.f32 v26, v11  }
0x112: {  	v33 =	vld [tilespmem:s26+$0x19020];
	v14 =	vsub.f32 v14, v1;
	v4 =	vmul.f32 v8, v4;
	v31 =	vmul.f32 v12, v29  }
0x113: {  	v9 =	vadd.f32 v19, v9;
	v10 =	vadd.f32 v27, v11  }
0x114: {  	v35 =	vld [tilespmem:s26+$0x19220];
	v34 =	vadd.f32 $0.0e+00, v14;
	v4 =	vmul.f32 v4, v8;
	v18 =	vmul.f32 v12, v31  }
0x115: {  	v9 =	vadd.f32 v20, v9;
	v10 =	vadd.f32 v30, v10  }
0x116: {  	v38 =	vld [tilespmem:s26+$0x19420];
	v4 =	vsub.f32 $1.500000000e+00, v4;
	v18 =	vsub.f32 $1.500000000e+00, v18;
	v37 =	vpop (erf)  }
0x117: {  	v36 =	vld [tilespmem:s26+$0x1A020];
	v9 =	vadd.f32 v32, v9;
	[tilespmem:s24+$0x1A220] =	vst v37;
	v10 =	vadd.f32 v33, v10  }
0x118: {  	v11 =	vmul.f32 $1.442695020e+00, v34;
	v12 =	vmul.f32 v12, v18;
	v39 =	vld [tilespmem:s26+$0x19620]  }
0x119: {  	v4 =	vmul.f32 v4, v8;
	v6 =	vadd.f32 v6, v9;
	v10 =	vadd.f32 v35, v10  }
0x11a: {  	(erf) = vpow2.f32 v11;
	v40 =	vmul.f32 v12, v29;
	v41 =	vld [tilespmem:s26+$0x19820]  }
0x11b: {  	v6 =	vadd.f32 v7, v6;
	v10 =	vadd.f32 v38, v10  }
0x11c: {  	v3 =	vmul.f32 v4, v3;
	v45 =	vld [tilespmem:s26+$0x19A20];
	v42 =	vmul.f32 v40, v12  }
0x11d: {  	v43 =	vshra.s32 v6, $0x1;
	v44 =	vmul.f32 $5.000000000e-01, v6;
	v9 =	vadd.f32 v39, v10  }
0x11e: {  	v3 =	vmul.f32 v3, v2;
	v47 =	vld [tilespmem:s26+$0x19C20];
	v8 =	vsub.f32 $1.500000000e+00, v42;
	v4 =	vsub.s32 $0x5F3759DF, v43  }
0x11f: {  	v46 =	vmul.f32 v4, v44;
	v7 =	vadd.f32 v41, v9  }
0x120: {  	v48 =	vld [tilespmem:s26+$0x19E20];
	v3 =	vsub.f32 v3, v1;
	v8 =	vmul.f32 v8, v12  }
0x121: {  	v10 =	vmul.f32 v4, v46;
	v7 =	vadd.f32 v45, v7  }
0x122: {  	v3 =	vadd.f32 $0.0e+00, v3;
	v12 =	vmul.f32 v8, v29  }
0x123: {  	v49 =	vpop (erf);
	v10 =	vsub.f32 $1.500000000e+00, v10;
	v7 =	vadd.f32 v47, v7  }
0x124: {  	v13 =	vadd.f32 $1.000000000e+00, v49;
	v12 =	vmul.f32 v12, v8  }
0x125: {  	v3 =	vmul.f32 $1.442695020e+00, v3;
	v4 =	vmul.f32 v4, v10;
	v7 =	vadd.f32 v48, v7  }
0x126: {  	(erf) = vrcp.f32 v13;
	v50 =	vsub.f32 $1.500000000e+00, v12  }
0x127: {  	(erf) = vpow2.f32 v3;
	v3 =	vmul.f32 v4, v44;
	v7 =	vadd.f32 v36, v7  }
0x128: {  	v8 =	vmul.f32 v50, v8  }
0x129: {  	v3 =	vmul.f32 v3, v4;
	v52 =	vshra.s32 v7, $0x1;
	v53 =	vmul.f32 $5.000000000e-01, v7  }
0x12a: {  	v51 =	vmul.f32 v8, v5;
	v8 =	vsub.s32 $0x5F3759DF, v52  }
0x12b: {  	v3 =	vsub.f32 $1.500000000e+00, v3;
	v54 =	vmul.f32 v8, v53  }
0x12c: {  	v5 =	vmul.f32 v51, v2  }
0x12d: {  	v3 =	vmul.f32 v3, v4;
	v56 =	vmul.f32 v8, v54  }
0x12e: {  	v55 =	vsub.f32 v5, v1  }
0x12f: {  	v57 =	vpop (erf);
	v11 =	vmul.f32 v3, v44;
	v5 =	vsub.f32 $1.500000000e+00, v56  }
0x130: {  	v58 =	vpop (erf);
	v4 =	vadd.f32 $0.0e+00, v55  }
0x131: {  	v12 =	vadd.f32 $1.000000000e+00, v58;
	v11 =	vmul.f32 v11, v3;
	v5 =	vmul.f32 v8, v5  }
0x132: {  	v4 =	vmul.f32 $1.442695020e+00, v4  }
0x133: {  	(erf) = vrcp.f32 v12;
	v59 =	vsub.f32 $1.500000000e+00, v11;
	v60 =	vmul.f32 v5, v53  }
0x134: {  	(erf) = vpow2.f32 v4  }
0x135: {  	v3 =	vmul.f32 v59, v3;
	v4 =	vmul.f32 v60, v5;
	_ =	sdelay $0x1  }
0x136: {  	v3 =	vmul.f32 v3, v6;
	v4 =	vsub.f32 $1.500000000e+00, v4;
	_ =	sdelay $0x1  }
0x137: {  	v3 =	vmul.f32 v3, v2;
	v4 =	vmul.f32 v4, v5;
	_ =	sdelay $0x1  }
0x138: {  	v3 =	vsub.f32 v3, v1;
	v62 =	vmul.f32 v4, v53  }
0x139: {  	v61 =	vpop (erf)  }
0x13a: {  	v63 =	vpop (erf);
	v3 =	vadd.f32 $0.0e+00, v3;
	v6 =	vmul.f32 v62, v4  }
0x13b: {  	v8 =	vadd.f32 $1.000000000e+00, v63  }
0x13c: {  	v3 =	vmul.f32 $1.442695020e+00, v3;
	v6 =	vsub.f32 $1.500000000e+00, v6  }
0x13d: {  	(erf) = vrcp.f32 v8  }
0x13e: {  	(erf) = vpow2.f32 v3;
	v3 =	vmul.f32 v6, v4;
	_ =	sdelay $0x1  }
0x13f: {  	v3 =	vmul.f32 v3, v7;
	_ =	sdelay $0x1  }
0x140: {  	v2 =	vmul.f32 v3, v2;
	_ =	sdelay $0x2  }
0x141: {  	v1 =	vsub.f32 v2, v1  }
0x142: {  	v2 =	vpop (erf)  }
0x143: {  	v1 =	vadd.f32 $0.0e+00, v1;
	v3 =	vpop (erf)  }
0x144: {  	v3 =	vadd.f32 $1.000000000e+00, v3  }
0x145: {  	v1 =	vmul.f32 $1.442695020e+00, v1  }
0x146: {  	(erf) = vrcp.f32 v3  }
0x147: {  	(erf) = vpow2.f32 v1;
	_ =	sdelay $0x7  }
0x148: {  	v1 =	vpop (erf)  }
0x149: {  	v3 =	vpop (erf)  }
0x14a: {  	v3 =	vadd.f32 $1.000000000e+00, v3;
	_ =	sdelay $0x1  }
0x14b: {  	(erf) = vrcp.f32 v3;
	_ =	sdelay $0x5  }
0x14c: {  	[tilespmem:s19+$0x1A220] =	vst v57  }
0x14d: {  	[tilespmem:s21+$0x1A220] =	vst v61  }
0x14e: {  	s18 =	sadd.s32 $0x1, s18;
	[tilespmem:s22+$0x1A220] =	vst v2  }
0x14f: {  	p0 =	sne.s32 s18, s13;
	[tilespmem:s25+$0x1A220] =	vst v1;
	v1 =	vpop (erf)  }
.Ltmp2:
0x150: {  	[tilespmem:s26+$0x1A220] =	vst v1;
	(pc) =	sbr.rel @p0 .LBB2_1-.Ltmp2, $4  }
0x151: {  	[hbm4b:s12+s2] =	stream.linear.scatter [tilespmem:s17], [sflag:$0x2], $0x200, $0x38;
	[tilespmem:$0x1A420] =	vst v63  }
0x152: {  	_ =	swait.ge [sflag:s14], $0x200  }
0x153: {  	[sflag:s14] =	ssyncset.done $0x0  }
0x154: {  	[sflag:s14] =	ssyncadd.s32 $0xFFFFFE00  }
0x155: {  	_ =	sfence.sel $0x180000  }
0x156: {  	[bflag:$0x0] =	sbarrier.arrive $0xFFFF  }
0x157: {  	_ =	strace $0x90000047  }
0x158: {  	s0 =	stileid.u32;
	[bflag:$0x2] =	sbarrier.arrive $0xFFFF  }
0x159: {  	p0 =	sne.s32 s0, $0x0;
	s0 =	rddreg [dreg:$0x3]  }
0x15a: {  	s0 =	sadd.s32 @!p0 $0x100000, s0  }
0x15b: {  	[sflag:s0] =	ssyncadd.tile.s32 @!p0 $0x1;
	_ =	shalt  }
.Lfunc_end2:
_tile_overlayer_lowered:
.L_overlay_start_2:
0x15c: {  	(tag) =	ssettag $0x2  }
0x15d: {  	s0 =	rddreg [dreg:$0x0];
	s2 =	stileid.u32  }
0x15e: {  	s1 =	rddreg [dreg:$0x1];
	p0 =	sne.s32 s2, $0x0  }
0x15f: {  	s3 =	rddreg [dreg:$0x2];
	[bflag:$0x3] =	sbarrier.arrive $0xFFFF;
	s2 =	simm.s32 @!p0 $0x1C02  }
0x160: {  	[timem:s3], [sflag:s2] =	dma.local @!p0 [hbm:s0], s1  }
0x161: {  	s0 =	simm.s32 @!p0 $0x2  }
0x162: {  	_ =	swait.ge @!p0 [sflag:s0], s1  }
0x163: {  	s1 =	ssub.s32 @!p0 $0x0, s1;
	[sflag:s0] =	ssyncset.done @!p0 $0x0  }
0x164: {  	[sflag:s0] =	ssyncadd.s32 @!p0 s1  }
0x165: {  	[bflag:$0x3] =	sbarrier.arrive $0xFFFF  }
0x166: {  	_ =	shalt  }

</sc_bundles>
